<compile_context>
chip_gen: v7x
topology: tpu7x:2x2x1
jax: 0.10.2.dev20260603
libtpu: 0.0.44.dev20260713+nightly
codegen_flags: <defaults>
</compile_context>

<pallas_src>
import functools

import jax
import jax.numpy as jnp
from jax import lax
from jax.experimental import pallas as pl
from jax.experimental.pallas import tpu as pltpu
from jax.experimental.pallas import tpu_sc as plsc

B, T, H = 16, 2048, 1024
NC, NS, L = 2, 16, 16
NW = NC * NS
C = 32
VPH = H // L

_MESH = plsc.VectorSubcoreMesh(
    core_axis_name="c", subcore_axis_name="s", num_cores=NC, num_subcores=NS
)


def _sc_body(x_hbm, mask_hbm, out_hbm, lens_hbm,
             mask_v, idx_v, rows_v, zeros_v, len_v, sem):
    wid = lax.axis_index("s") * NC + lax.axis_index("c")
    n = wid // 2
    half = wid % 2
    base = n * T

    zvec = jnp.zeros((L,), jnp.float32)

    def zbody(q, carry):
        r = q // VPH
        v = q % VPH
        zeros_v[r, pl.ds(v * L, L)] = zvec
        return carry
    lax.fori_loop(0, C * VPH, zbody, 0)

    pltpu.sync_copy(mask_hbm.at[n], mask_v)

    basevec = jnp.full((L,), base, jnp.int32)
    def fbody(i, carry):
        idx_v[pl.ds(i * L, L)] = basevec
        return carry
    lax.fori_loop(0, (T + L) // L, fbody, 0)

    def cbody(i, off):
        m = mask_v[pl.ds(i * L, L)]
        mb = m != 0
        cum = plsc.cumsum(m)
        tvec = lax.iota(jnp.int32, L) + (i * L + base)
        dest = off + cum - 1
        plsc.store_scatter(idx_v, [dest], tvec, mask=mb)
        return off + jnp.max(cum)
    length = lax.fori_loop(0, T // L, cbody, jnp.int32(0))

    @pl.when(half == 0)
    def _():
        len_v[...] = jnp.full((L,), length, jnp.int32)
        pltpu.sync_copy(len_v, lens_hbm.at[n])

    def gbody(i, carry):
        j0 = (2 * i + half) * C
        row0 = base + j0
        k = length - j0

        @pl.when(k > 0)
        def _():
            pltpu.async_copy(x_hbm.at[idx_v.at[pl.ds(j0, C)]], rows_v, sem).wait()

            @pl.when(k < C)
            def _():
                def zrow(r, c2):
                    for v in range(VPH):
                        rows_v[r, pl.ds(v * L, L)] = zvec
                    return c2
                lax.fori_loop(k, C, zrow, 0)

            pltpu.sync_copy(rows_v, out_hbm.at[pl.ds(row0, C)])

        @pl.when(k <= 0)
        def _():
            pltpu.sync_copy(zeros_v, out_hbm.at[pl.ds(row0, C)])

        return carry
    lax.fori_loop(0, T // (2 * C), gbody, 0)


_pad_masked = pl.kernel(
    _sc_body,
    out_type=(
        jax.ShapeDtypeStruct((B * T, H), jnp.float32),
        jax.ShapeDtypeStruct((B, L), jnp.int32),
    ),
    mesh=_MESH,
    compiler_params=pltpu.CompilerParams(needs_layout_passes=False),
    scratch_types=[
        pltpu.VMEM((T,), jnp.int32),
        pltpu.VMEM((T + L,), jnp.int32),
        pltpu.VMEM((C, H), jnp.float32),
        pltpu.VMEM((C, H), jnp.float32),
        pltpu.VMEM((L,), jnp.int32),
        pltpu.SemaphoreType.DMA,
    ],
)


@jax.jit
def kernel(x, mask):
    x2 = x.reshape(B * T, H)
    mask_i = mask.astype(jnp.int32)
    out2, lens2 = _pad_masked(x2, mask_i)
    return out2.reshape(B, T, H), lens2[:, 0]

# --- scband reference (transcript-rebuilt; emitter-appended) ---
"""Pipeline reference for scband-pad-masked-sequence-1700807049705 (READ-ONLY COPY).

The authoritative reference and input builder live on the scoring server;
editing this copy changes nothing except your own understanding.
"""

import jax, jax.numpy as jnp
import numpy as np

BATCH_FIRST = True
PADDING_VALUE = 0.0


def setup_inputs(seed: int = 0) -> dict:
    key = jax.random.key(seed)
    k1, k2 = jax.random.split(key)
    x = jax.random.normal(k1, (16, 2048, 1024), dtype=jnp.float32)
    mask = jax.random.bernoulli(k2, 0.5, (16, 2048))
    return {"x": x, "mask": mask}


def reference(x, mask):
    # PadMaskedSequence with batch_first=True, padding_value=PADDING_VALUE.
    # For each batch row n, the j-th True element (in time order) of mask
    # is moved to position j; remaining positions are filled with padding.
    T = x.shape[1]
    lens = mask.astype(jnp.int64).sum(axis=1)
    # Stable argsort of ~mask: True-mask positions (sort key False=0) come
    # first, preserving their original time order -> compaction permutation.
    order = jnp.argsort(jnp.logical_not(mask).astype(jnp.int32), axis=1)
    gathered = jnp.take_along_axis(x, order[:, :, None], axis=1)
    lmask = lens[:, None] > jnp.arange(T)
    x_ = jnp.where(lmask[:, :, None], gathered, jnp.asarray(PADDING_VALUE, x.dtype))
    return x_, lens

if __name__ == "__main__":
    import jax
    _d = setup_inputs()
    print(jax.jit(kernel)(*tuple(_d.values())))

</pallas_src>

<mosaic_0001>
#map = affine_map<(d0, d1) -> (0, 0)>
module attributes {stable_mosaic.version = 14 : i64} {
  func.func @_sc_body(%arg0: i32, %arg1: i32, %arg2: memref<32768x1024xf32, #tpu.memory_space<hbm>>, %arg3: memref<16x2048xi32, #tpu.memory_space<hbm>>, %arg4: memref<32768x1024xf32, #tpu.memory_space<hbm>>, %arg5: memref<16x16xi32, #tpu.memory_space<hbm>>, %arg6: memref<2048xi32, #tpu.memory_space<vmem>>, %arg7: memref<2064xi32, #tpu.memory_space<vmem>>, %arg8: memref<32x1024xf32, #tpu.memory_space<vmem>>, %arg9: memref<32x1024xf32, #tpu.memory_space<vmem>>, %arg10: memref<16xi32, #tpu.memory_space<vmem>>, %arg11: memref<!tpu.dma_semaphore, #tpu.memory_space<semaphore_mem>>) attributes {dimension_semantics = [#tpu.dimension_semantics<core_parallel>, #tpu.dimension_semantics<subcore_parallel>], iteration_bounds = array<i64: 2, 16>, scalar_prefetch = 0 : i64, scratch_operands = 6 : i64, tpu.core_type = #tpu.core_type<sc_vector_subcore>, window_params = [{transform_indices = #map}, {transform_indices = #map}, {transform_indices = #map}, {transform_indices = #map}]} {
    %mul3A = arith.constant 2 : i32
    %mul3A_0 = arith.muli %arg1, %mul3A : i32
    %add3A = arith.addi %mul3A_0, %arg0 : i32
    %jit3A = arith.constant 2 : i32
    %div3A = arith.divsi %add3A, %jit3A : i32
    %sign3A = arith.constant 0 : i32
    %sign3A_1 = arith.cmpi sgt, %add3A, %sign3A : i32
    %sign3A_2 = arith.extui %sign3A_1 : i1 to i32
    %sign3A_3 = arith.constant 0 : i32
    %sign3A_4 = arith.cmpi slt, %add3A, %sign3A_3 : i32
    %sign3A_5 = arith.extui %sign3A_4 : i1 to i32
    %sign3A_6 = arith.subi %sign3A_2, %sign3A_5 : i32
    %sign3A_7 = arith.constant 0 : i32
    %sign3A_8 = arith.cmpi sgt, %jit3A, %sign3A_7 : i32
    %sign3A_9 = arith.extui %sign3A_8 : i1 to i32
    %sign3A_10 = arith.constant 0 : i32
    %sign3A_11 = arith.cmpi slt, %jit3A, %sign3A_10 : i32
    %sign3A_12 = arith.extui %sign3A_11 : i1 to i32
    %sign3A_13 = arith.subi %sign3A_9, %sign3A_12 : i32
    %ne3A = arith.cmpi ne, %sign3A_6, %sign3A_13 : i32
    %rem3A = arith.remsi %add3A, %jit3A : i32
    %ne3A_14 = arith.constant 0 : i32
    %ne3A_15 = arith.cmpi ne, %rem3A, %ne3A_14 : i32
    %and3A = arith.andi %ne3A, %ne3A_15 : i1
    %sub3A = arith.constant 1 : i32
    %sub3A_16 = arith.subi %div3A, %sub3A : i32
    %select_n3A = arith.select %and3A, %sub3A_16, %div3A : i32
    %jit3A_17 = arith.constant 2 : i32
    %eq3A = arith.constant 0 : i32
    %eq3A_18 = arith.cmpi eq, %jit3A_17, %eq3A : i32
    %jit3A_19 = arith.constant 1 : i32
    %select_n3A_20 = arith.select %eq3A_18, %jit3A_19, %jit3A_17 : i32
    %rem3A_21 = arith.remsi %add3A, %select_n3A_20 : i32
    %ne3A_22 = arith.constant 0 : i32
    %ne3A_23 = arith.cmpi ne, %rem3A_21, %ne3A_22 : i32
    %lt3A = arith.constant 0 : i32
    %lt3A_24 = arith.cmpi slt, %rem3A_21, %lt3A : i32
    %lt3A_25 = arith.constant 0 : i32
    %lt3A_26 = arith.cmpi slt, %select_n3A_20, %lt3A_25 : i32
    %ne3A_27 = arith.xori %lt3A_24, %lt3A_26 : i1
    %and3A_28 = arith.andi %ne3A_27, %ne3A_23 : i1
    %add3A_29 = arith.addi %rem3A_21, %select_n3A_20 : i32
    %select_n3A_30 = arith.select %and3A_28, %add3A_29, %rem3A_21 : i32
    %mul3A_31 = arith.constant 2048 : i32
    %mul3A_32 = arith.muli %select_n3A, %mul3A_31 : i32
    %broadcast_in_dim3A = arith.constant 0.000000e+00 : f32
    %broadcast_in_dim3A_33 = vector.broadcast %broadcast_in_dim3A : f32 to vector<16xf32>
    %scan3A = arith.constant 0 : i32
    %scan3A_34 = arith.constant 0 : i32
    %scan3A_35 = arith.constant 2048 : i32
    %scan3A_36 = arith.addi %scan3A_34, %scan3A_35 : i32
    %scan3A_37 = arith.constant 1 : i32
    scf.for %scan3A_62 = %scan3A_34 to %scan3A_36 step %scan3A_37  : i32 {
      %jit3A_63 = arith.constant 64 : i32
      %div3A_64 = arith.divsi %scan3A_62, %jit3A_63 : i32
      %sign3A_65 = arith.constant 0 : i32
      %sign3A_66 = arith.cmpi sgt, %scan3A_62, %sign3A_65 : i32
      %sign3A_67 = arith.extui %sign3A_66 : i1 to i32
      %sign3A_68 = arith.constant 0 : i32
      %sign3A_69 = arith.cmpi slt, %scan3A_62, %sign3A_68 : i32
      %sign3A_70 = arith.extui %sign3A_69 : i1 to i32
      %sign3A_71 = arith.subi %sign3A_67, %sign3A_70 : i32
      %sign3A_72 = arith.constant 0 : i32
      %sign3A_73 = arith.cmpi sgt, %jit3A_63, %sign3A_72 : i32
      %sign3A_74 = arith.extui %sign3A_73 : i1 to i32
      %sign3A_75 = arith.constant 0 : i32
      %sign3A_76 = arith.cmpi slt, %jit3A_63, %sign3A_75 : i32
      %sign3A_77 = arith.extui %sign3A_76 : i1 to i32
      %sign3A_78 = arith.subi %sign3A_74, %sign3A_77 : i32
      %ne3A_79 = arith.cmpi ne, %sign3A_71, %sign3A_78 : i32
      %rem3A_80 = arith.remsi %scan3A_62, %jit3A_63 : i32
      %ne3A_81 = arith.constant 0 : i32
      %ne3A_82 = arith.cmpi ne, %rem3A_80, %ne3A_81 : i32
      %and3A_83 = arith.andi %ne3A_79, %ne3A_82 : i1
      %sub3A_84 = arith.constant 1 : i32
      %sub3A_85 = arith.subi %div3A_64, %sub3A_84 : i32
      %select_n3A_86 = arith.select %and3A_83, %sub3A_85, %div3A_64 : i32
      %jit3A_87 = arith.constant 64 : i32
      %eq3A_88 = arith.constant 0 : i32
      %eq3A_89 = arith.cmpi eq, %jit3A_87, %eq3A_88 : i32
      %jit3A_90 = arith.constant 1 : i32
      %select_n3A_91 = arith.select %eq3A_89, %jit3A_90, %jit3A_87 : i32
      %rem3A_92 = arith.remsi %scan3A_62, %select_n3A_91 : i32
      %ne3A_93 = arith.constant 0 : i32
      %ne3A_94 = arith.cmpi ne, %rem3A_92, %ne3A_93 : i32
      %lt3A_95 = arith.constant 0 : i32
      %lt3A_96 = arith.cmpi slt, %rem3A_92, %lt3A_95 : i32
      %lt3A_97 = arith.constant 0 : i32
      %lt3A_98 = arith.cmpi slt, %select_n3A_91, %lt3A_97 : i32
      %ne3A_99 = arith.xori %lt3A_96, %lt3A_98 : i1
      %and3A_100 = arith.andi %ne3A_99, %ne3A_94 : i1
      %add3A_101 = arith.addi %rem3A_92, %select_n3A_91 : i32
      %select_n3A_102 = arith.select %and3A_100, %add3A_101, %rem3A_92 : i32
      %mul3A_103 = arith.constant 16 : i32
      %mul3A_104 = arith.muli %select_n3A_102, %mul3A_103 : i32
      %swap3A = arith.index_cast %select_n3A_86 : i32 to index
      %swap3A_105 = arith.index_cast %mul3A_104 : i32 to index
      %swap3A_106 = tpu.vector_load %arg9[%swap3A, %swap3A_105] {strides = array<i32>} : memref<32x1024xf32, #tpu.memory_space<vmem>>, vector<16xf32>,
      tpu.vector_store %arg9[%swap3A, %swap3A_105], %broadcast_in_dim3A_33 {strides = array<i32>} : memref<32x1024xf32, #tpu.memory_space<vmem>>, vector<16xf32>,
    }
    %scan3A_38 = arith.constant 2048 : i32
    "tpu.region"() ({
      %run_scoped3A = tpu.sem_alloc : memref<!tpu.dma_semaphore, #tpu.memory_space<semaphore_mem>>
      %dma_start3A = arith.constant 0 : i32
      %dma_start3A_62 = tpu.memref_slice %arg3[%select_n3A, %dma_start3A] : memref<16x2048xi32, #tpu.memory_space<hbm>> -> memref<1x2048xi32, #tpu.memory_space<hbm>>
      %dma_start3A_63 = tpu.memref_squeeze %dma_start3A_62 : memref<1x2048xi32, #tpu.memory_space<hbm>> -> memref<2048xi32, #tpu.memory_space<hbm>>
      %dma_start3A_64 = arith.constant 0 : i32
      %dma_start3A_65 = tpu.memref_slice %arg3[%select_n3A, %dma_start3A_64] : memref<16x2048xi32, #tpu.memory_space<hbm>> -> memref<1x2048xi32, #tpu.memory_space<hbm>>
      %dma_start3A_66 = tpu.memref_squeeze %dma_start3A_65 : memref<1x2048xi32, #tpu.memory_space<hbm>> -> memref<2048xi32, #tpu.memory_space<hbm>>
      tpu.enqueue_dma source(%dma_start3A_66 : memref<2048xi32, #tpu.memory_space<hbm>>) target(%arg6 : memref<2048xi32, #tpu.memory_space<vmem>>) target_semaphore(%run_scoped3A : memref<!tpu.dma_semaphore, #tpu.memory_space<semaphore_mem>>)
      %dma_wait3A = arith.constant 0 : i32
      %dma_wait3A_67 = tpu.memref_slice %arg3[%select_n3A, %dma_wait3A] : memref<16x2048xi32, #tpu.memory_space<hbm>> -> memref<1x2048xi32, #tpu.memory_space<hbm>>
      %dma_wait3A_68 = tpu.memref_squeeze %dma_wait3A_67 : memref<1x2048xi32, #tpu.memory_space<hbm>> -> memref<2048xi32, #tpu.memory_space<hbm>>
      %dma_wait3A_69 = arith.constant 0 : i32
      %dma_wait3A_70 = tpu.memref_slice %arg3[%select_n3A, %dma_wait3A_69] : memref<16x2048xi32, #tpu.memory_space<hbm>> -> memref<1x2048xi32, #tpu.memory_space<hbm>>
      %dma_wait3A_71 = tpu.memref_squeeze %dma_wait3A_70 : memref<1x2048xi32, #tpu.memory_space<hbm>> -> memref<2048xi32, #tpu.memory_space<hbm>>
      tpu.wait_dma2 semaphore(%run_scoped3A : memref<!tpu.dma_semaphore, #tpu.memory_space<semaphore_mem>>) src(%dma_wait3A_71 : memref<2048xi32, #tpu.memory_space<hbm>>) dst(%arg6 : memref<2048xi32, #tpu.memory_space<vmem>>)
      tpu.yield
    }) : () -> ()
    %broadcast_in_dim3A_39 = vector.broadcast %mul3A_32 : i32 to vector<16xi32>
    %scan3A_40 = arith.constant 0 : i32
    %scan3A_41 = arith.constant 0 : i32
    %scan3A_42 = arith.constant 129 : i32
    %scan3A_43 = arith.addi %scan3A_41, %scan3A_42 : i32
    %scan3A_44 = arith.constant 1 : i32
    scf.for %scan3A_62 = %scan3A_41 to %scan3A_43 step %scan3A_44  : i32 {
      %mul3A_63 = arith.constant 16 : i32
      %mul3A_64 = arith.muli %scan3A_62, %mul3A_63 : i32
      %swap3A = arith.index_cast %mul3A_64 : i32 to index
      %swap3A_65 = tpu.vector_load %arg7[%swap3A] {strides = array<i32>} : memref<2064xi32, #tpu.memory_space<vmem>>, vector<16xi32>,
      tpu.vector_store %arg7[%swap3A], %broadcast_in_dim3A_39 {strides = array<i32>} : memref<2064xi32, #tpu.memory_space<vmem>>, vector<16xi32>,
    }
    %scan3A_45 = arith.constant 129 : i32
    %scan3A_46 = arith.constant 0 : i32
    %scan3A_47 = arith.constant 0 : i32
    %scan3A_48 = arith.constant 128 : i32
    %scan3A_49 = arith.addi %scan3A_47, %scan3A_48 : i32
    %scan3A_50 = arith.constant 1 : i32
    %scan3A_51 = scf.for %scan3A_62 = %scan3A_47 to %scan3A_49 step %scan3A_50 iter_args(%scan3A_63 = %scan3A_46) -> (i32)  : i32 {
      %mul3A_64 = arith.constant 16 : i32
      %mul3A_65 = arith.muli %scan3A_62, %mul3A_64 : i32
      %get3A = arith.index_cast %mul3A_65 : i32 to index
      %get3A_66 = tpu.vector_load %arg6[%get3A] {strides = array<i32>} : memref<2048xi32, #tpu.memory_space<vmem>>, vector<16xi32>,
      %ne3A_67 = arith.constant 0 : i32
      %ne3A_68 = vector.broadcast %ne3A_67 : i32 to vector<16xi32>
      %ne3A_69 = arith.cmpi ne, %get3A_66, %ne3A_68 : vector<16xi32>
      %broadcast_in_dim3A_70 = arith.constant true
      %broadcast_in_dim3A_71 = vector.broadcast %broadcast_in_dim3A_70 : i1 to vector<16xi1>
      %masked_cumsum3A = tpu.scan <sum>, %get3A_66 masked %broadcast_in_dim3A_71 : vector<16xi32>, vector<16xi1> -> vector<16xi32>
      %iota3A = tpu.iota {dimensions = array<i32: 0>} : vector<16xi32>
      %mul3A_72 = arith.constant 16 : i32
      %mul3A_73 = arith.muli %scan3A_62, %mul3A_72 : i32
      %add3A_74 = arith.addi %mul3A_73, %mul3A_32 : i32
      %add3A_75 = vector.broadcast %add3A_74 : i32 to vector<16xi32>
      %add3A_76 = arith.addi %iota3A, %add3A_75 : vector<16xi32>
      %add3A_77 = vector.broadcast %scan3A_63 : i32 to vector<16xi32>
      %add3A_78 = arith.addi %add3A_77, %masked_cumsum3A : vector<16xi32>
      %sub3A_79 = arith.constant 1 : i32
      %sub3A_80 = vector.broadcast %sub3A_79 : i32 to vector<16xi32>
      %sub3A_81 = arith.subi %add3A_78, %sub3A_80 : vector<16xi32>
      tpu.vector_store_idx %arg7[%sub3A_81], %add3A_76 masked %ne3A_69 : memref<2064xi32, #tpu.memory_space<vmem>>[vector<16xi32>], vector<16xi32>, vector<16xi1>
      %reduce_max3A = arith.constant true
      %reduce_max3A_82 = vector.broadcast %reduce_max3A : i1 to vector<16xi1>
      %reduce_max3A_83 = arith.constant -2147483648 : i32
      %reduce_max3A_84 = vector.broadcast %reduce_max3A_83 : i32 to vector<16xi32>
      %reduce_max3A_85 = arith.xori %masked_cumsum3A, %reduce_max3A_84 : vector<16xi32>
      %reduce_max3A_86 = tpu.scan <max>, %reduce_max3A_85 masked %reduce_max3A_82 : vector<16xi32>, vector<16xi1> -> vector<16xi32>
      %reduce_max3A_87 = arith.xori %reduce_max3A_86, %reduce_max3A_84 : vector<16xi32>
      %reduce_max3A_88 = vector.extract %reduce_max3A_87[15] : i32 from vector<16xi32>
      %add3A_89 = arith.addi %scan3A_63, %reduce_max3A_88 : i32
      scf.yield %add3A_89 : i32
    }
    %scan3A_52 = arith.constant 128 : i32
    %eq3A_53 = arith.constant 0 : i32
    %eq3A_54 = arith.cmpi eq, %select_n3A_30, %eq3A_53 : i32
    %convert_element_type3A = arith.extui %eq3A_54 : i1 to i32
    %cond3A = arith.constant 0 : i32
    %cond3A_55 = arith.cmpi ne, %convert_element_type3A, %cond3A : i32
    scf.if %cond3A_55 {
      %broadcast_in_dim3A_62 = vector.broadcast %scan3A_51 : i32 to vector<16xi32>
      %swap3A = arith.constant 0 : index
      %swap3A_63 = tpu.vector_load %arg10[%swap3A] {strides = array<i32>} : memref<16xi32, #tpu.memory_space<vmem>>, vector<16xi32>,
      tpu.vector_store %arg10[%swap3A], %broadcast_in_dim3A_62 {strides = array<i32>} : memref<16xi32, #tpu.memory_space<vmem>>, vector<16xi32>,
      "tpu.region"() ({
        %run_scoped3A = tpu.sem_alloc : memref<!tpu.dma_semaphore, #tpu.memory_space<semaphore_mem>>
        %dma_start3A = arith.constant 0 : i32
        %dma_start3A_64 = tpu.memref_slice %arg5[%select_n3A, %dma_start3A] : memref<16x16xi32, #tpu.memory_space<hbm>> -> memref<1x16xi32, #tpu.memory_space<hbm>>
        %dma_start3A_65 = tpu.memref_squeeze %dma_start3A_64 : memref<1x16xi32, #tpu.memory_space<hbm>> -> memref<16xi32, #tpu.memory_space<hbm>>
        %dma_start3A_66 = arith.constant 0 : i32
        %dma_start3A_67 = tpu.memref_slice %arg5[%select_n3A, %dma_start3A_66] : memref<16x16xi32, #tpu.memory_space<hbm>> -> memref<1x16xi32, #tpu.memory_space<hbm>>
        %dma_start3A_68 = tpu.memref_squeeze %dma_start3A_67 : memref<1x16xi32, #tpu.memory_space<hbm>> -> memref<16xi32, #tpu.memory_space<hbm>>
        tpu.enqueue_dma source(%arg10 : memref<16xi32, #tpu.memory_space<vmem>>) target(%dma_start3A_68 : memref<16xi32, #tpu.memory_space<hbm>>) target_semaphore(%run_scoped3A : memref<!tpu.dma_semaphore, #tpu.memory_space<semaphore_mem>>)
        %dma_wait3A = arith.constant 0 : i32
        %dma_wait3A_69 = tpu.memref_slice %arg5[%select_n3A, %dma_wait3A] : memref<16x16xi32, #tpu.memory_space<hbm>> -> memref<1x16xi32, #tpu.memory_space<hbm>>
        %dma_wait3A_70 = tpu.memref_squeeze %dma_wait3A_69 : memref<1x16xi32, #tpu.memory_space<hbm>> -> memref<16xi32, #tpu.memory_space<hbm>>
        %dma_wait3A_71 = arith.constant 0 : i32
        %dma_wait3A_72 = tpu.memref_slice %arg5[%select_n3A, %dma_wait3A_71] : memref<16x16xi32, #tpu.memory_space<hbm>> -> memref<1x16xi32, #tpu.memory_space<hbm>>
        %dma_wait3A_73 = tpu.memref_squeeze %dma_wait3A_72 : memref<1x16xi32, #tpu.memory_space<hbm>> -> memref<16xi32, #tpu.memory_space<hbm>>
        tpu.wait_dma2 semaphore(%run_scoped3A : memref<!tpu.dma_semaphore, #tpu.memory_space<semaphore_mem>>) src(%arg10 : memref<16xi32, #tpu.memory_space<vmem>>) dst(%dma_wait3A_73 : memref<16xi32, #tpu.memory_space<hbm>>)
        tpu.yield
      }) : () -> ()
    } else {
    }
    %scan3A_56 = arith.constant 0 : i32
    %scan3A_57 = arith.constant 0 : i32
    %scan3A_58 = arith.constant 32 : i32
    %scan3A_59 = arith.addi %scan3A_57, %scan3A_58 : i32
    %scan3A_60 = arith.constant 1 : i32
    scf.for %scan3A_62 = %scan3A_57 to %scan3A_59 step %scan3A_60  : i32 {
      %mul3A_63 = arith.constant 2 : i32
      %mul3A_64 = arith.muli %mul3A_63, %scan3A_62 : i32
      %add3A_65 = arith.addi %mul3A_64, %select_n3A_30 : i32
      %mul3A_66 = arith.constant 32 : i32
      %mul3A_67 = arith.muli %add3A_65, %mul3A_66 : i32
      %add3A_68 = arith.addi %mul3A_32, %mul3A_67 : i32
      %sub3A_69 = arith.subi %scan3A_51, %mul3A_67 : i32
      %gt3A = arith.constant 0 : i32
      %gt3A_70 = arith.cmpi sgt, %sub3A_69, %gt3A : i32
      %convert_element_type3A_71 = arith.extui %gt3A_70 : i1 to i32
      %cond3A_72 = arith.constant 0 : i32
      %cond3A_73 = arith.cmpi ne, %convert_element_type3A_71, %cond3A_72 : i32
      scf.if %cond3A_73 {
        %dma_start3A = tpu.memref_slice %arg7[%mul3A_67] : memref<2064xi32, #tpu.memory_space<vmem>> -> memref<32xi32, #tpu.memory_space<vmem>>
        %dma_start3A_78 = arith.constant 0 : i32
        %dma_start3A_79 = arith.constant 0 : i32
        %dma_start3A_80 = tpu.memref_slice %arg2[%dma_start3A_78, %dma_start3A_79] : memref<32768x1024xf32, #tpu.memory_space<hbm>> -> memref<32768x1024xf32, #tpu.memory_space<hbm>>
        tpu.enqueue_indirect_dma source(%dma_start3A_80 : memref<32768x1024xf32, #tpu.memory_space<hbm>>) target(%arg8 : memref<32x1024xf32, #tpu.memory_space<vmem>>) offsets(%dma_start3A : memref<32xi32, #tpu.memory_space<vmem>>) semaphore(%arg11 : memref<!tpu.dma_semaphore, #tpu.memory_space<semaphore_mem>>)
        %dma_wait3A = tpu.memref_slice %arg7[%mul3A_67] : memref<2064xi32, #tpu.memory_space<vmem>> -> memref<32xi32, #tpu.memory_space<vmem>>
        %dma_wait3A_81 = arith.constant 0 : i32
        %dma_wait3A_82 = arith.constant 0 : i32
        %dma_wait3A_83 = tpu.memref_slice %arg2[%dma_wait3A_81, %dma_wait3A_82] : memref<32768x1024xf32, #tpu.memory_space<hbm>> -> memref<32768x1024xf32, #tpu.memory_space<hbm>>
        tpu.wait_indirect_dma semaphore(%arg11 : memref<!tpu.dma_semaphore, #tpu.memory_space<semaphore_mem>>) src(%dma_wait3A_83 : memref<32768x1024xf32, #tpu.memory_space<hbm>>) dst(%arg8 : memref<32x1024xf32, #tpu.memory_space<vmem>>)
        %lt3A_84 = arith.constant 32 : i32
        %lt3A_85 = arith.cmpi slt, %sub3A_69, %lt3A_84 : i32
        %convert_element_type3A_86 = arith.extui %lt3A_85 : i1 to i32
        %cond3A_87 = arith.constant 0 : i32
        %cond3A_88 = arith.cmpi ne, %convert_element_type3A_86, %cond3A_87 : i32
        scf.if %cond3A_88 {
          %while3A = arith.constant 0 : i32
          %while3A_89 = arith.constant 32 : i32
          %while3A_90 = arith.subi %while3A_89, %sub3A_69 : i32
          %while3A_91 = arith.addi %sub3A_69, %while3A_90 : i32
          %while3A_92 = arith.constant 1 : i32
          %while3A_93 = arith.divsi %while3A_90, %while3A_92 : i32
          %while3A_94 = arith.muli %while3A_93, %while3A_92 : i32
          %while3A_95 = arith.addi %sub3A_69, %while3A_94 : i32
          %while3A_96 = arith.constant 1 : i32
          scf.for %while3A_98 = %sub3A_69 to %while3A_95 step %while3A_96  : i32 {
            %swap3A = arith.index_cast %while3A_98 : i32 to index
            %swap3A_99 = arith.constant 0 : index
            %swap3A_100 = tpu.vector_load %arg8[%swap3A, %swap3A_99] {strides = array<i32>} : memref<32x1024xf32, #tpu.memory_space<vmem>>, vector<16xf32>,
            tpu.vector_store %arg8[%swap3A, %swap3A_99], %broadcast_in_dim3A_33 {strides = array<i32>} : memref<32x1024xf32, #tpu.memory_space<vmem>>, vector<16xf32>,
            %swap3A_101 = arith.index_cast %while3A_98 : i32 to index
            %swap3A_102 = arith.constant 16 : index
            %swap3A_103 = tpu.vector_load %arg8[%swap3A_101, %swap3A_102] {strides = array<i32>} : memref<32x1024xf32, #tpu.memory_space<vmem>>, vector<16xf32>,
            tpu.vector_store %arg8[%swap3A_101, %swap3A_102], %broadcast_in_dim3A_33 {strides = array<i32>} : memref<32x1024xf32, #tpu.memory_space<vmem>>, vector<16xf32>,
            %swap3A_104 = arith.index_cast %while3A_98 : i32 to index
            %swap3A_105 = arith.constant 32 : index
            %swap3A_106 = tpu.vector_load %arg8[%swap3A_104, %swap3A_105] {strides = array<i32>} : memref<32x1024xf32, #tpu.memory_space<vmem>>, vector<16xf32>,
            tpu.vector_store %arg8[%swap3A_104, %swap3A_105], %broadcast_in_dim3A_33 {strides = array<i32>} : memref<32x1024xf32, #tpu.memory_space<vmem>>, vector<16xf32>,
            %swap3A_107 = arith.index_cast %while3A_98 : i32 to index
            %swap3A_108 = arith.constant 48 : index
            %swap3A_109 = tpu.vector_load %arg8[%swap3A_107, %swap3A_108] {strides = array<i32>} : memref<32x1024xf32, #tpu.memory_space<vmem>>, vector<16xf32>,
            tpu.vector_store %arg8[%swap3A_107, %swap3A_108], %broadcast_in_dim3A_33 {strides = array<i32>} : memref<32x1024xf32, #tpu.memory_space<vmem>>, vector<16xf32>,
            %swap3A_110 = arith.index_cast %while3A_98 : i32 to index
            %swap3A_111 = arith.constant 64 : index
            %swap3A_112 = tpu.vector_load %arg8[%swap3A_110, %swap3A_111] {strides = array<i32>} : memref<32x1024xf32, #tpu.memory_space<vmem>>, vector<16xf32>,
            tpu.vector_store %arg8[%swap3A_110, %swap3A_111], %broadcast_in_dim3A_33 {strides = array<i32>} : memref<32x1024xf32, #tpu.memory_space<vmem>>, vector<16xf32>,
            %swap3A_113 = arith.index_cast %while3A_98 : i32 to index
            %swap3A_114 = arith.constant 80 : index
            %swap3A_115 = tpu.vector_load %arg8[%swap3A_113, %swap3A_114] {strides = array<i32>} : memref<32x1024xf32, #tpu.memory_space<vmem>>, vector<16xf32>,
            tpu.vector_store %arg8[%swap3A_113, %swap3A_114], %broadcast_in_dim3A_33 {strides = array<i32>} : memref<32x1024xf32, #tpu.memory_space<vmem>>, vector<16xf32>,
            %swap3A_116 = arith.index_cast %while3A_98 : i32 to index
            %swap3A_117 = arith.constant 96 : index
            %swap3A_118 = tpu.vector_load %arg8[%swap3A_116, %swap3A_117] {strides = array<i32>} : memref<32x1024xf32, #tpu.memory_space<vmem>>, vector<16xf32>,
            tpu.vector_store %arg8[%swap3A_116, %swap3A_117], %broadcast_in_dim3A_33 {strides = array<i32>} : memref<32x1024xf32, #tpu.memory_space<vmem>>, vector<16xf32>,
            %swap3A_119 = arith.index_cast %while3A_98 : i32 to index
            %swap3A_120 = arith.constant 112 : index
            %swap3A_121 = tpu.vector_load %arg8[%swap3A_119, %swap3A_120] {strides = array<i32>} : memref<32x1024xf32, #tpu.memory_space<vmem>>, vector<16xf32>,
            tpu.vector_store %arg8[%swap3A_119, %swap3A_120], %broadcast_in_dim3A_33 {strides = array<i32>} : memref<32x1024xf32, #tpu.memory_space<vmem>>, vector<16xf32>,
            %swap3A_122 = arith.index_cast %while3A_98 : i32 to index
            %swap3A_123 = arith.constant 128 : index
            %swap3A_124 = tpu.vector_load %arg8[%swap3A_122, %swap3A_123] {strides = array<i32>} : memref<32x1024xf32, #tpu.memory_space<vmem>>, vector<16xf32>,
            tpu.vector_store %arg8[%swap3A_122, %swap3A_123], %broadcast_in_dim3A_33 {strides = array<i32>} : memref<32x1024xf32, #tpu.memory_space<vmem>>, vector<16xf32>,
            %swap3A_125 = arith.index_cast %while3A_98 : i32 to index
            %swap3A_126 = arith.constant 144 : index
            %swap3A_127 = tpu.vector_load %arg8[%swap3A_125, %swap3A_126] {strides = array<i32>} : memref<32x1024xf32, #tpu.memory_space<vmem>>, vector<16xf32>,
            tpu.vector_store %arg8[%swap3A_125, %swap3A_126], %broadcast_in_dim3A_33 {strides = array<i32>} : memref<32x1024xf32, #tpu.memory_space<vmem>>, vector<16xf32>,
            %swap3A_128 = arith.index_cast %while3A_98 : i32 to index
            %swap3A_129 = arith.constant 160 : index
            %swap3A_130 = tpu.vector_load %arg8[%swap3A_128, %swap3A_129] {strides = array<i32>} : memref<32x1024xf32, #tpu.memory_space<vmem>>, vector<16xf32>,
            tpu.vector_store %arg8[%swap3A_128, %swap3A_129], %broadcast_in_dim3A_33 {strides = array<i32>} : memref<32x1024xf32, #tpu.memory_space<vmem>>, vector<16xf32>,
            %swap3A_131 = arith.index_cast %while3A_98 : i32 to index
            %swap3A_132 = arith.constant 176 : index
            %swap3A_133 = tpu.vector_load %arg8[%swap3A_131, %swap3A_132] {strides = array<i32>} : memref<32x1024xf32, #tpu.memory_space<vmem>>, vector<16xf32>,
            tpu.vector_store %arg8[%swap3A_131, %swap3A_132], %broadcast_in_dim3A_33 {strides = array<i32>} : memref<32x1024xf32, #tpu.memory_space<vmem>>, vector<16xf32>,
            %swap3A_134 = arith.index_cast %while3A_98 : i32 to index
            %swap3A_135 = arith.constant 192 : index
            %swap3A_136 = tpu.vector_load %arg8[%swap3A_134, %swap3A_135] {strides = array<i32>} : memref<32x1024xf32, #tpu.memory_space<vmem>>, vector<16xf32>,
            tpu.vector_store %arg8[%swap3A_134, %swap3A_135], %broadcast_in_dim3A_33 {strides = array<i32>} : memref<32x1024xf32, #tpu.memory_space<vmem>>, vector<16xf32>,
            %swap3A_137 = arith.index_cast %while3A_98 : i32 to index
            %swap3A_138 = arith.constant 208 : index
            %swap3A_139 = tpu.vector_load %arg8[%swap3A_137, %swap3A_138] {strides = array<i32>} : memref<32x1024xf32, #tpu.memory_space<vmem>>, vector<16xf32>,
            tpu.vector_store %arg8[%swap3A_137, %swap3A_138], %broadcast_in_dim3A_33 {strides = array<i32>} : memref<32x1024xf32, #tpu.memory_space<vmem>>, vector<16xf32>,
            %swap3A_140 = arith.index_cast %while3A_98 : i32 to index
            %swap3A_141 = arith.constant 224 : index
            %swap3A_142 = tpu.vector_load %arg8[%swap3A_140, %swap3A_141] {strides = array<i32>} : memref<32x1024xf32, #tpu.memory_space<vmem>>, vector<16xf32>,
            tpu.vector_store %arg8[%swap3A_140, %swap3A_141], %broadcast_in_dim3A_33 {strides = array<i32>} : memref<32x1024xf32, #tpu.memory_space<vmem>>, vector<16xf32>,
            %swap3A_143 = arith.index_cast %while3A_98 : i32 to index
            %swap3A_144 = arith.constant 240 : index
            %swap3A_145 = tpu.vector_load %arg8[%swap3A_143, %swap3A_144] {strides = array<i32>} : memref<32x1024xf32, #tpu.memory_space<vmem>>, vector<16xf32>,
            tpu.vector_store %arg8[%swap3A_143, %swap3A_144], %broadcast_in_dim3A_33 {strides = array<i32>} : memref<32x1024xf32, #tpu.memory_space<vmem>>, vector<16xf32>,
            %swap3A_146 = arith.index_cast %while3A_98 : i32 to index
            %swap3A_147 = arith.constant 256 : index
            %swap3A_148 = tpu.vector_load %arg8[%swap3A_146, %swap3A_147] {strides = array<i32>} : memref<32x1024xf32, #tpu.memory_space<vmem>>, vector<16xf32>,
            tpu.vector_store %arg8[%swap3A_146, %swap3A_147], %broadcast_in_dim3A_33 {strides = array<i32>} : memref<32x1024xf32, #tpu.memory_space<vmem>>, vector<16xf32>,
            %swap3A_149 = arith.index_cast %while3A_98 : i32 to index
            %swap3A_150 = arith.constant 272 : index
            %swap3A_151 = tpu.vector_load %arg8[%swap3A_149, %swap3A_150] {strides = array<i32>} : memref<32x1024xf32, #tpu.memory_space<vmem>>, vector<16xf32>,
            tpu.vector_store %arg8[%swap3A_149, %swap3A_150], %broadcast_in_dim3A_33 {strides = array<i32>} : memref<32x1024xf32, #tpu.memory_space<vmem>>, vector<16xf32>,
            %swap3A_152 = arith.index_cast %while3A_98 : i32 to index
            %swap3A_153 = arith.constant 288 : index
            %swap3A_154 = tpu.vector_load %arg8[%swap3A_152, %swap3A_153] {strides = array<i32>} : memref<32x1024xf32, #tpu.memory_space<vmem>>, vector<16xf32>,
            tpu.vector_store %arg8[%swap3A_152, %swap3A_153], %broadcast_in_dim3A_33 {strides = array<i32>} : memref<32x1024xf32, #tpu.memory_space<vmem>>, vector<16xf32>,
            %swap3A_155 = arith.index_cast %while3A_98 : i32 to index
            %swap3A_156 = arith.constant 304 : index
            %swap3A_157 = tpu.vector_load %arg8[%swap3A_155, %swap3A_156] {strides = array<i32>} : memref<32x1024xf32, #tpu.memory_space<vmem>>, vector<16xf32>,
            tpu.vector_store %arg8[%swap3A_155, %swap3A_156], %broadcast_in_dim3A_33 {strides = array<i32>} : memref<32x1024xf32, #tpu.memory_space<vmem>>, vector<16xf32>,
            %swap3A_158 = arith.index_cast %while3A_98 : i32 to index
            %swap3A_159 = arith.constant 320 : index
            %swap3A_160 = tpu.vector_load %arg8[%swap3A_158, %swap3A_159] {strides = array<i32>} : memref<32x1024xf32, #tpu.memory_space<vmem>>, vector<16xf32>,
            tpu.vector_store %arg8[%swap3A_158, %swap3A_159], %broadcast_in_dim3A_33 {strides = array<i32>} : memref<32x1024xf32, #tpu.memory_space<vmem>>, vector<16xf32>,
            %swap3A_161 = arith.index_cast %while3A_98 : i32 to index
            %swap3A_162 = arith.constant 336 : index
            %swap3A_163 = tpu.vector_load %arg8[%swap3A_161, %swap3A_162] {strides = array<i32>} : memref<32x1024xf32, #tpu.memory_space<vmem>>, vector<16xf32>,
            tpu.vector_store %arg8[%swap3A_161, %swap3A_162], %broadcast_in_dim3A_33 {strides = array<i32>} : memref<32x1024xf32, #tpu.memory_space<vmem>>, vector<16xf32>,
            %swap3A_164 = arith.index_cast %while3A_98 : i32 to index
            %swap3A_165 = arith.constant 352 : index
            %swap3A_166 = tpu.vector_load %arg8[%swap3A_164, %swap3A_165] {strides = array<i32>} : memref<32x1024xf32, #tpu.memory_space<vmem>>, vector<16xf32>,
            tpu.vector_store %arg8[%swap3A_164, %swap3A_165], %broadcast_in_dim3A_33 {strides = array<i32>} : memref<32x1024xf32, #tpu.memory_space<vmem>>, vector<16xf32>,
            %swap3A_167 = arith.index_cast %while3A_98 : i32 to index
            %swap3A_168 = arith.constant 368 : index
            %swap3A_169 = tpu.vector_load %arg8[%swap3A_167, %swap3A_168] {strides = array<i32>} : memref<32x1024xf32, #tpu.memory_space<vmem>>, vector<16xf32>,
            tpu.vector_store %arg8[%swap3A_167, %swap3A_168], %broadcast_in_dim3A_33 {strides = array<i32>} : memref<32x1024xf32, #tpu.memory_space<vmem>>, vector<16xf32>,
            %swap3A_170 = arith.index_cast %while3A_98 : i32 to index
            %swap3A_171 = arith.constant 384 : index
            %swap3A_172 = tpu.vector_load %arg8[%swap3A_170, %swap3A_171] {strides = array<i32>} : memref<32x1024xf32, #tpu.memory_space<vmem>>, vector<16xf32>,
            tpu.vector_store %arg8[%swap3A_170, %swap3A_171], %broadcast_in_dim3A_33 {strides = array<i32>} : memref<32x1024xf32, #tpu.memory_space<vmem>>, vector<16xf32>,
            %swap3A_173 = arith.index_cast %while3A_98 : i32 to index
            %swap3A_174 = arith.constant 400 : index
            %swap3A_175 = tpu.vector_load %arg8[%swap3A_173, %swap3A_174] {strides = array<i32>} : memref<32x1024xf32, #tpu.memory_space<vmem>>, vector<16xf32>,
            tpu.vector_store %arg8[%swap3A_173, %swap3A_174], %broadcast_in_dim3A_33 {strides = array<i32>} : memref<32x1024xf32, #tpu.memory_space<vmem>>, vector<16xf32>,
            %swap3A_176 = arith.index_cast %while3A_98 : i32 to index
            %swap3A_177 = arith.constant 416 : index
            %swap3A_178 = tpu.vector_load %arg8[%swap3A_176, %swap3A_177] {strides = array<i32>} : memref<32x1024xf32, #tpu.memory_space<vmem>>, vector<16xf32>,
            tpu.vector_store %arg8[%swap3A_176, %swap3A_177], %broadcast_in_dim3A_33 {strides = array<i32>} : memref<32x1024xf32, #tpu.memory_space<vmem>>, vector<16xf32>,
            %swap3A_179 = arith.index_cast %while3A_98 : i32 to index
            %swap3A_180 = arith.constant 432 : index
            %swap3A_181 = tpu.vector_load %arg8[%swap3A_179, %swap3A_180] {strides = array<i32>} : memref<32x1024xf32, #tpu.memory_space<vmem>>, vector<16xf32>,
            tpu.vector_store %arg8[%swap3A_179, %swap3A_180], %broadcast_in_dim3A_33 {strides = array<i32>} : memref<32x1024xf32, #tpu.memory_space<vmem>>, vector<16xf32>,
            %swap3A_182 = arith.index_cast %while3A_98 : i32 to index
            %swap3A_183 = arith.constant 448 : index
            %swap3A_184 = tpu.vector_load %arg8[%swap3A_182, %swap3A_183] {strides = array<i32>} : memref<32x1024xf32, #tpu.memory_space<vmem>>, vector<16xf32>,
            tpu.vector_store %arg8[%swap3A_182, %swap3A_183], %broadcast_in_dim3A_33 {strides = array<i32>} : memref<32x1024xf32, #tpu.memory_space<vmem>>, vector<16xf32>,
            %swap3A_185 = arith.index_cast %while3A_98 : i32 to index
            %swap3A_186 = arith.constant 464 : index
            %swap3A_187 = tpu.vector_load %arg8[%swap3A_185, %swap3A_186] {strides = array<i32>} : memref<32x1024xf32, #tpu.memory_space<vmem>>, vector<16xf32>,
            tpu.vector_store %arg8[%swap3A_185, %swap3A_186], %broadcast_in_dim3A_33 {strides = array<i32>} : memref<32x1024xf32, #tpu.memory_space<vmem>>, vector<16xf32>,
            %swap3A_188 = arith.index_cast %while3A_98 : i32 to index
            %swap3A_189 = arith.constant 480 : index
            %swap3A_190 = tpu.vector_load %arg8[%swap3A_188, %swap3A_189] {strides = array<i32>} : memref<32x1024xf32, #tpu.memory_space<vmem>>, vector<16xf32>,
            tpu.vector_store %arg8[%swap3A_188, %swap3A_189], %broadcast_in_dim3A_33 {strides = array<i32>} : memref<32x1024xf32, #tpu.memory_space<vmem>>, vector<16xf32>,
            %swap3A_191 = arith.index_cast %while3A_98 : i32 to index
            %swap3A_192 = arith.constant 496 : index
            %swap3A_193 = tpu.vector_load %arg8[%swap3A_191, %swap3A_192] {strides = array<i32>} : memref<32x1024xf32, #tpu.memory_space<vmem>>, vector<16xf32>,
            tpu.vector_store %arg8[%swap3A_191, %swap3A_192], %broadcast_in_dim3A_33 {strides = array<i32>} : memref<32x1024xf32, #tpu.memory_space<vmem>>, vector<16xf32>,
            %swap3A_194 = arith.index_cast %while3A_98 : i32 to index
            %swap3A_195 = arith.constant 512 : index
            %swap3A_196 = tpu.vector_load %arg8[%swap3A_194, %swap3A_195] {strides = array<i32>} : memref<32x1024xf32, #tpu.memory_space<vmem>>, vector<16xf32>,
            tpu.vector_store %arg8[%swap3A_194, %swap3A_195], %broadcast_in_dim3A_33 {strides = array<i32>} : memref<32x1024xf32, #tpu.memory_space<vmem>>, vector<16xf32>,
            %swap3A_197 = arith.index_cast %while3A_98 : i32 to index
            %swap3A_198 = arith.constant 528 : index
            %swap3A_199 = tpu.vector_load %arg8[%swap3A_197, %swap3A_198] {strides = array<i32>} : memref<32x1024xf32, #tpu.memory_space<vmem>>, vector<16xf32>,
            tpu.vector_store %arg8[%swap3A_197, %swap3A_198], %broadcast_in_dim3A_33 {strides = array<i32>} : memref<32x1024xf32, #tpu.memory_space<vmem>>, vector<16xf32>,
            %swap3A_200 = arith.index_cast %while3A_98 : i32 to index
            %swap3A_201 = arith.constant 544 : index
            %swap3A_202 = tpu.vector_load %arg8[%swap3A_200, %swap3A_201] {strides = array<i32>} : memref<32x1024xf32, #tpu.memory_space<vmem>>, vector<16xf32>,
            tpu.vector_store %arg8[%swap3A_200, %swap3A_201], %broadcast_in_dim3A_33 {strides = array<i32>} : memref<32x1024xf32, #tpu.memory_space<vmem>>, vector<16xf32>,
            %swap3A_203 = arith.index_cast %while3A_98 : i32 to index
            %swap3A_204 = arith.constant 560 : index
            %swap3A_205 = tpu.vector_load %arg8[%swap3A_203, %swap3A_204] {strides = array<i32>} : memref<32x1024xf32, #tpu.memory_space<vmem>>, vector<16xf32>,
            tpu.vector_store %arg8[%swap3A_203, %swap3A_204], %broadcast_in_dim3A_33 {strides = array<i32>} : memref<32x1024xf32, #tpu.memory_space<vmem>>, vector<16xf32>,
            %swap3A_206 = arith.index_cast %while3A_98 : i32 to index
            %swap3A_207 = arith.constant 576 : index
            %swap3A_208 = tpu.vector_load %arg8[%swap3A_206, %swap3A_207] {strides = array<i32>} : memref<32x1024xf32, #tpu.memory_space<vmem>>, vector<16xf32>,
            tpu.vector_store %arg8[%swap3A_206, %swap3A_207], %broadcast_in_dim3A_33 {strides = array<i32>} : memref<32x1024xf32, #tpu.memory_space<vmem>>, vector<16xf32>,
            %swap3A_209 = arith.index_cast %while3A_98 : i32 to index
            %swap3A_210 = arith.constant 592 : index
            %swap3A_211 = tpu.vector_load %arg8[%swap3A_209, %swap3A_210] {strides = array<i32>} : memref<32x1024xf32, #tpu.memory_space<vmem>>, vector<16xf32>,
            tpu.vector_store %arg8[%swap3A_209, %swap3A_210], %broadcast_in_dim3A_33 {strides = array<i32>} : memref<32x1024xf32, #tpu.memory_space<vmem>>, vector<16xf32>,
            %swap3A_212 = arith.index_cast %while3A_98 : i32 to index
            %swap3A_213 = arith.constant 608 : index
            %swap3A_214 = tpu.vector_load %arg8[%swap3A_212, %swap3A_213] {strides = array<i32>} : memref<32x1024xf32, #tpu.memory_space<vmem>>, vector<16xf32>,
            tpu.vector_store %arg8[%swap3A_212, %swap3A_213], %broadcast_in_dim3A_33 {strides = array<i32>} : memref<32x1024xf32, #tpu.memory_space<vmem>>, vector<16xf32>,
            %swap3A_215 = arith.index_cast %while3A_98 : i32 to index
            %swap3A_216 = arith.constant 624 : index
            %swap3A_217 = tpu.vector_load %arg8[%swap3A_215, %swap3A_216] {strides = array<i32>} : memref<32x1024xf32, #tpu.memory_space<vmem>>, vector<16xf32>,
            tpu.vector_store %arg8[%swap3A_215, %swap3A_216], %broadcast_in_dim3A_33 {strides = array<i32>} : memref<32x1024xf32, #tpu.memory_space<vmem>>, vector<16xf32>,
            %swap3A_218 = arith.index_cast %while3A_98 : i32 to index
            %swap3A_219 = arith.constant 640 : index
            %swap3A_220 = tpu.vector_load %arg8[%swap3A_218, %swap3A_219] {strides = array<i32>} : memref<32x1024xf32, #tpu.memory_space<vmem>>, vector<16xf32>,
            tpu.vector_store %arg8[%swap3A_218, %swap3A_219], %broadcast_in_dim3A_33 {strides = array<i32>} : memref<32x1024xf32, #tpu.memory_space<vmem>>, vector<16xf32>,
            %swap3A_221 = arith.index_cast %while3A_98 : i32 to index
            %swap3A_222 = arith.constant 656 : index
            %swap3A_223 = tpu.vector_load %arg8[%swap3A_221, %swap3A_222] {strides = array<i32>} : memref<32x1024xf32, #tpu.memory_space<vmem>>, vector<16xf32>,
            tpu.vector_store %arg8[%swap3A_221, %swap3A_222], %broadcast_in_dim3A_33 {strides = array<i32>} : memref<32x1024xf32, #tpu.memory_space<vmem>>, vector<16xf32>,
            %swap3A_224 = arith.index_cast %while3A_98 : i32 to index
            %swap3A_225 = arith.constant 672 : index
            %swap3A_226 = tpu.vector_load %arg8[%swap3A_224, %swap3A_225] {strides = array<i32>} : memref<32x1024xf32, #tpu.memory_space<vmem>>, vector<16xf32>,
            tpu.vector_store %arg8[%swap3A_224, %swap3A_225], %broadcast_in_dim3A_33 {strides = array<i32>} : memref<32x1024xf32, #tpu.memory_space<vmem>>, vector<16xf32>,
            %swap3A_227 = arith.index_cast %while3A_98 : i32 to index
            %swap3A_228 = arith.constant 688 : index
            %swap3A_229 = tpu.vector_load %arg8[%swap3A_227, %swap3A_228] {strides = array<i32>} : memref<32x1024xf32, #tpu.memory_space<vmem>>, vector<16xf32>,
            tpu.vector_store %arg8[%swap3A_227, %swap3A_228], %broadcast_in_dim3A_33 {strides = array<i32>} : memref<32x1024xf32, #tpu.memory_space<vmem>>, vector<16xf32>,
            %swap3A_230 = arith.index_cast %while3A_98 : i32 to index
            %swap3A_231 = arith.constant 704 : index
            %swap3A_232 = tpu.vector_load %arg8[%swap3A_230, %swap3A_231] {strides = array<i32>} : memref<32x1024xf32, #tpu.memory_space<vmem>>, vector<16xf32>,
            tpu.vector_store %arg8[%swap3A_230, %swap3A_231], %broadcast_in_dim3A_33 {strides = array<i32>} : memref<32x1024xf32, #tpu.memory_space<vmem>>, vector<16xf32>,
            %swap3A_233 = arith.index_cast %while3A_98 : i32 to index
            %swap3A_234 = arith.constant 720 : index
            %swap3A_235 = tpu.vector_load %arg8[%swap3A_233, %swap3A_234] {strides = array<i32>} : memref<32x1024xf32, #tpu.memory_space<vmem>>, vector<16xf32>,
            tpu.vector_store %arg8[%swap3A_233, %swap3A_234], %broadcast_in_dim3A_33 {strides = array<i32>} : memref<32x1024xf32, #tpu.memory_space<vmem>>, vector<16xf32>,
            %swap3A_236 = arith.index_cast %while3A_98 : i32 to index
            %swap3A_237 = arith.constant 736 : index
            %swap3A_238 = tpu.vector_load %arg8[%swap3A_236, %swap3A_237] {strides = array<i32>} : memref<32x1024xf32, #tpu.memory_space<vmem>>, vector<16xf32>,
            tpu.vector_store %arg8[%swap3A_236, %swap3A_237], %broadcast_in_dim3A_33 {strides = array<i32>} : memref<32x1024xf32, #tpu.memory_space<vmem>>, vector<16xf32>,
            %swap3A_239 = arith.index_cast %while3A_98 : i32 to index
            %swap3A_240 = arith.constant 752 : index
            %swap3A_241 = tpu.vector_load %arg8[%swap3A_239, %swap3A_240] {strides = array<i32>} : memref<32x1024xf32, #tpu.memory_space<vmem>>, vector<16xf32>,
            tpu.vector_store %arg8[%swap3A_239, %swap3A_240], %broadcast_in_dim3A_33 {strides = array<i32>} : memref<32x1024xf32, #tpu.memory_space<vmem>>, vector<16xf32>,
            %swap3A_242 = arith.index_cast %while3A_98 : i32 to index
            %swap3A_243 = arith.constant 768 : index
            %swap3A_244 = tpu.vector_load %arg8[%swap3A_242, %swap3A_243] {strides = array<i32>} : memref<32x1024xf32, #tpu.memory_space<vmem>>, vector<16xf32>,
            tpu.vector_store %arg8[%swap3A_242, %swap3A_243], %broadcast_in_dim3A_33 {strides = array<i32>} : memref<32x1024xf32, #tpu.memory_space<vmem>>, vector<16xf32>,
            %swap3A_245 = arith.index_cast %while3A_98 : i32 to index
            %swap3A_246 = arith.constant 784 : index
            %swap3A_247 = tpu.vector_load %arg8[%swap3A_245, %swap3A_246] {strides = array<i32>} : memref<32x1024xf32, #tpu.memory_space<vmem>>, vector<16xf32>,
            tpu.vector_store %arg8[%swap3A_245, %swap3A_246], %broadcast_in_dim3A_33 {strides = array<i32>} : memref<32x1024xf32, #tpu.memory_space<vmem>>, vector<16xf32>,
            %swap3A_248 = arith.index_cast %while3A_98 : i32 to index
            %swap3A_249 = arith.constant 800 : index
            %swap3A_250 = tpu.vector_load %arg8[%swap3A_248, %swap3A_249] {strides = array<i32>} : memref<32x1024xf32, #tpu.memory_space<vmem>>, vector<16xf32>,
            tpu.vector_store %arg8[%swap3A_248, %swap3A_249], %broadcast_in_dim3A_33 {strides = array<i32>} : memref<32x1024xf32, #tpu.memory_space<vmem>>, vector<16xf32>,
            %swap3A_251 = arith.index_cast %while3A_98 : i32 to index
            %swap3A_252 = arith.constant 816 : index
            %swap3A_253 = tpu.vector_load %arg8[%swap3A_251, %swap3A_252] {strides = array<i32>} : memref<32x1024xf32, #tpu.memory_space<vmem>>, vector<16xf32>,
            tpu.vector_store %arg8[%swap3A_251, %swap3A_252], %broadcast_in_dim3A_33 {strides = array<i32>} : memref<32x1024xf32, #tpu.memory_space<vmem>>, vector<16xf32>,
            %swap3A_254 = arith.index_cast %while3A_98 : i32 to index
            %swap3A_255 = arith.constant 832 : index
            %swap3A_256 = tpu.vector_load %arg8[%swap3A_254, %swap3A_255] {strides = array<i32>} : memref<32x1024xf32, #tpu.memory_space<vmem>>, vector<16xf32>,
            tpu.vector_store %arg8[%swap3A_254, %swap3A_255], %broadcast_in_dim3A_33 {strides = array<i32>} : memref<32x1024xf32, #tpu.memory_space<vmem>>, vector<16xf32>,
            %swap3A_257 = arith.index_cast %while3A_98 : i32 to index
            %swap3A_258 = arith.constant 848 : index
            %swap3A_259 = tpu.vector_load %arg8[%swap3A_257, %swap3A_258] {strides = array<i32>} : memref<32x1024xf32, #tpu.memory_space<vmem>>, vector<16xf32>,
            tpu.vector_store %arg8[%swap3A_257, %swap3A_258], %broadcast_in_dim3A_33 {strides = array<i32>} : memref<32x1024xf32, #tpu.memory_space<vmem>>, vector<16xf32>,
            %swap3A_260 = arith.index_cast %while3A_98 : i32 to index
            %swap3A_261 = arith.constant 864 : index
            %swap3A_262 = tpu.vector_load %arg8[%swap3A_260, %swap3A_261] {strides = array<i32>} : memref<32x1024xf32, #tpu.memory_space<vmem>>, vector<16xf32>,
            tpu.vector_store %arg8[%swap3A_260, %swap3A_261], %broadcast_in_dim3A_33 {strides = array<i32>} : memref<32x1024xf32, #tpu.memory_space<vmem>>, vector<16xf32>,
            %swap3A_263 = arith.index_cast %while3A_98 : i32 to index
            %swap3A_264 = arith.constant 880 : index
            %swap3A_265 = tpu.vector_load %arg8[%swap3A_263, %swap3A_264] {strides = array<i32>} : memref<32x1024xf32, #tpu.memory_space<vmem>>, vector<16xf32>,
            tpu.vector_store %arg8[%swap3A_263, %swap3A_264], %broadcast_in_dim3A_33 {strides = array<i32>} : memref<32x1024xf32, #tpu.memory_space<vmem>>, vector<16xf32>,
            %swap3A_266 = arith.index_cast %while3A_98 : i32 to index
            %swap3A_267 = arith.constant 896 : index
            %swap3A_268 = tpu.vector_load %arg8[%swap3A_266, %swap3A_267] {strides = array<i32>} : memref<32x1024xf32, #tpu.memory_space<vmem>>, vector<16xf32>,
            tpu.vector_store %arg8[%swap3A_266, %swap3A_267], %broadcast_in_dim3A_33 {strides = array<i32>} : memref<32x1024xf32, #tpu.memory_space<vmem>>, vector<16xf32>,
            %swap3A_269 = arith.index_cast %while3A_98 : i32 to index
            %swap3A_270 = arith.constant 912 : index
            %swap3A_271 = tpu.vector_load %arg8[%swap3A_269, %swap3A_270] {strides = array<i32>} : memref<32x1024xf32, #tpu.memory_space<vmem>>, vector<16xf32>,
            tpu.vector_store %arg8[%swap3A_269, %swap3A_270], %broadcast_in_dim3A_33 {strides = array<i32>} : memref<32x1024xf32, #tpu.memory_space<vmem>>, vector<16xf32>,
            %swap3A_272 = arith.index_cast %while3A_98 : i32 to index
            %swap3A_273 = arith.constant 928 : index
            %swap3A_274 = tpu.vector_load %arg8[%swap3A_272, %swap3A_273] {strides = array<i32>} : memref<32x1024xf32, #tpu.memory_space<vmem>>, vector<16xf32>,
            tpu.vector_store %arg8[%swap3A_272, %swap3A_273], %broadcast_in_dim3A_33 {strides = array<i32>} : memref<32x1024xf32, #tpu.memory_space<vmem>>, vector<16xf32>,
            %swap3A_275 = arith.index_cast %while3A_98 : i32 to index
            %swap3A_276 = arith.constant 944 : index
            %swap3A_277 = tpu.vector_load %arg8[%swap3A_275, %swap3A_276] {strides = array<i32>} : memref<32x1024xf32, #tpu.memory_space<vmem>>, vector<16xf32>,
            tpu.vector_store %arg8[%swap3A_275, %swap3A_276], %broadcast_in_dim3A_33 {strides = array<i32>} : memref<32x1024xf32, #tpu.memory_space<vmem>>, vector<16xf32>,
            %swap3A_278 = arith.index_cast %while3A_98 : i32 to index
            %swap3A_279 = arith.constant 960 : index
            %swap3A_280 = tpu.vector_load %arg8[%swap3A_278, %swap3A_279] {strides = array<i32>} : memref<32x1024xf32, #tpu.memory_space<vmem>>, vector<16xf32>,
            tpu.vector_store %arg8[%swap3A_278, %swap3A_279], %broadcast_in_dim3A_33 {strides = array<i32>} : memref<32x1024xf32, #tpu.memory_space<vmem>>, vector<16xf32>,
            %swap3A_281 = arith.index_cast %while3A_98 : i32 to index
            %swap3A_282 = arith.constant 976 : index
            %swap3A_283 = tpu.vector_load %arg8[%swap3A_281, %swap3A_282] {strides = array<i32>} : memref<32x1024xf32, #tpu.memory_space<vmem>>, vector<16xf32>,
            tpu.vector_store %arg8[%swap3A_281, %swap3A_282], %broadcast_in_dim3A_33 {strides = array<i32>} : memref<32x1024xf32, #tpu.memory_space<vmem>>, vector<16xf32>,
            %swap3A_284 = arith.index_cast %while3A_98 : i32 to index
            %swap3A_285 = arith.constant 992 : index
            %swap3A_286 = tpu.vector_load %arg8[%swap3A_284, %swap3A_285] {strides = array<i32>} : memref<32x1024xf32, #tpu.memory_space<vmem>>, vector<16xf32>,
            tpu.vector_store %arg8[%swap3A_284, %swap3A_285], %broadcast_in_dim3A_33 {strides = array<i32>} : memref<32x1024xf32, #tpu.memory_space<vmem>>, vector<16xf32>,
            %swap3A_287 = arith.index_cast %while3A_98 : i32 to index
            %swap3A_288 = arith.constant 1008 : index
            %swap3A_289 = tpu.vector_load %arg8[%swap3A_287, %swap3A_288] {strides = array<i32>} : memref<32x1024xf32, #tpu.memory_space<vmem>>, vector<16xf32>,
            tpu.vector_store %arg8[%swap3A_287, %swap3A_288], %broadcast_in_dim3A_33 {strides = array<i32>} : memref<32x1024xf32, #tpu.memory_space<vmem>>, vector<16xf32>,
          }
          %while3A_97 = arith.constant 1 : i32
          scf.for %while3A_98 = %while3A_95 to %while3A_91 step %while3A_97  : i32 {
            %swap3A = arith.index_cast %while3A_98 : i32 to index
            %swap3A_99 = arith.constant 0 : index
            %swap3A_100 = tpu.vector_load %arg8[%swap3A, %swap3A_99] {strides = array<i32>} : memref<32x1024xf32, #tpu.memory_space<vmem>>, vector<16xf32>,
            tpu.vector_store %arg8[%swap3A, %swap3A_99], %broadcast_in_dim3A_33 {strides = array<i32>} : memref<32x1024xf32, #tpu.memory_space<vmem>>, vector<16xf32>,
            %swap3A_101 = arith.index_cast %while3A_98 : i32 to index
            %swap3A_102 = arith.constant 16 : index
            %swap3A_103 = tpu.vector_load %arg8[%swap3A_101, %swap3A_102] {strides = array<i32>} : memref<32x1024xf32, #tpu.memory_space<vmem>>, vector<16xf32>,
            tpu.vector_store %arg8[%swap3A_101, %swap3A_102], %broadcast_in_dim3A_33 {strides = array<i32>} : memref<32x1024xf32, #tpu.memory_space<vmem>>, vector<16xf32>,
            %swap3A_104 = arith.index_cast %while3A_98 : i32 to index
            %swap3A_105 = arith.constant 32 : index
            %swap3A_106 = tpu.vector_load %arg8[%swap3A_104, %swap3A_105] {strides = array<i32>} : memref<32x1024xf32, #tpu.memory_space<vmem>>, vector<16xf32>,
            tpu.vector_store %arg8[%swap3A_104, %swap3A_105], %broadcast_in_dim3A_33 {strides = array<i32>} : memref<32x1024xf32, #tpu.memory_space<vmem>>, vector<16xf32>,
            %swap3A_107 = arith.index_cast %while3A_98 : i32 to index
            %swap3A_108 = arith.constant 48 : index
            %swap3A_109 = tpu.vector_load %arg8[%swap3A_107, %swap3A_108] {strides = array<i32>} : memref<32x1024xf32, #tpu.memory_space<vmem>>, vector<16xf32>,
            tpu.vector_store %arg8[%swap3A_107, %swap3A_108], %broadcast_in_dim3A_33 {strides = array<i32>} : memref<32x1024xf32, #tpu.memory_space<vmem>>, vector<16xf32>,
            %swap3A_110 = arith.index_cast %while3A_98 : i32 to index
            %swap3A_111 = arith.constant 64 : index
            %swap3A_112 = tpu.vector_load %arg8[%swap3A_110, %swap3A_111] {strides = array<i32>} : memref<32x1024xf32, #tpu.memory_space<vmem>>, vector<16xf32>,
            tpu.vector_store %arg8[%swap3A_110, %swap3A_111], %broadcast_in_dim3A_33 {strides = array<i32>} : memref<32x1024xf32, #tpu.memory_space<vmem>>, vector<16xf32>,
            %swap3A_113 = arith.index_cast %while3A_98 : i32 to index
            %swap3A_114 = arith.constant 80 : index
            %swap3A_115 = tpu.vector_load %arg8[%swap3A_113, %swap3A_114] {strides = array<i32>} : memref<32x1024xf32, #tpu.memory_space<vmem>>, vector<16xf32>,
            tpu.vector_store %arg8[%swap3A_113, %swap3A_114], %broadcast_in_dim3A_33 {strides = array<i32>} : memref<32x1024xf32, #tpu.memory_space<vmem>>, vector<16xf32>,
            %swap3A_116 = arith.index_cast %while3A_98 : i32 to index
            %swap3A_117 = arith.constant 96 : index
            %swap3A_118 = tpu.vector_load %arg8[%swap3A_116, %swap3A_117] {strides = array<i32>} : memref<32x1024xf32, #tpu.memory_space<vmem>>, vector<16xf32>,
            tpu.vector_store %arg8[%swap3A_116, %swap3A_117], %broadcast_in_dim3A_33 {strides = array<i32>} : memref<32x1024xf32, #tpu.memory_space<vmem>>, vector<16xf32>,
            %swap3A_119 = arith.index_cast %while3A_98 : i32 to index
            %swap3A_120 = arith.constant 112 : index
            %swap3A_121 = tpu.vector_load %arg8[%swap3A_119, %swap3A_120] {strides = array<i32>} : memref<32x1024xf32, #tpu.memory_space<vmem>>, vector<16xf32>,
            tpu.vector_store %arg8[%swap3A_119, %swap3A_120], %broadcast_in_dim3A_33 {strides = array<i32>} : memref<32x1024xf32, #tpu.memory_space<vmem>>, vector<16xf32>,
            %swap3A_122 = arith.index_cast %while3A_98 : i32 to index
            %swap3A_123 = arith.constant 128 : index
            %swap3A_124 = tpu.vector_load %arg8[%swap3A_122, %swap3A_123] {strides = array<i32>} : memref<32x1024xf32, #tpu.memory_space<vmem>>, vector<16xf32>,
            tpu.vector_store %arg8[%swap3A_122, %swap3A_123], %broadcast_in_dim3A_33 {strides = array<i32>} : memref<32x1024xf32, #tpu.memory_space<vmem>>, vector<16xf32>,
            %swap3A_125 = arith.index_cast %while3A_98 : i32 to index
            %swap3A_126 = arith.constant 144 : index
            %swap3A_127 = tpu.vector_load %arg8[%swap3A_125, %swap3A_126] {strides = array<i32>} : memref<32x1024xf32, #tpu.memory_space<vmem>>, vector<16xf32>,
            tpu.vector_store %arg8[%swap3A_125, %swap3A_126], %broadcast_in_dim3A_33 {strides = array<i32>} : memref<32x1024xf32, #tpu.memory_space<vmem>>, vector<16xf32>,
            %swap3A_128 = arith.index_cast %while3A_98 : i32 to index
            %swap3A_129 = arith.constant 160 : index
            %swap3A_130 = tpu.vector_load %arg8[%swap3A_128, %swap3A_129] {strides = array<i32>} : memref<32x1024xf32, #tpu.memory_space<vmem>>, vector<16xf32>,
            tpu.vector_store %arg8[%swap3A_128, %swap3A_129], %broadcast_in_dim3A_33 {strides = array<i32>} : memref<32x1024xf32, #tpu.memory_space<vmem>>, vector<16xf32>,
            %swap3A_131 = arith.index_cast %while3A_98 : i32 to index
            %swap3A_132 = arith.constant 176 : index
            %swap3A_133 = tpu.vector_load %arg8[%swap3A_131, %swap3A_132] {strides = array<i32>} : memref<32x1024xf32, #tpu.memory_space<vmem>>, vector<16xf32>,
            tpu.vector_store %arg8[%swap3A_131, %swap3A_132], %broadcast_in_dim3A_33 {strides = array<i32>} : memref<32x1024xf32, #tpu.memory_space<vmem>>, vector<16xf32>,
            %swap3A_134 = arith.index_cast %while3A_98 : i32 to index
            %swap3A_135 = arith.constant 192 : index
            %swap3A_136 = tpu.vector_load %arg8[%swap3A_134, %swap3A_135] {strides = array<i32>} : memref<32x1024xf32, #tpu.memory_space<vmem>>, vector<16xf32>,
            tpu.vector_store %arg8[%swap3A_134, %swap3A_135], %broadcast_in_dim3A_33 {strides = array<i32>} : memref<32x1024xf32, #tpu.memory_space<vmem>>, vector<16xf32>,
            %swap3A_137 = arith.index_cast %while3A_98 : i32 to index
            %swap3A_138 = arith.constant 208 : index
            %swap3A_139 = tpu.vector_load %arg8[%swap3A_137, %swap3A_138] {strides = array<i32>} : memref<32x1024xf32, #tpu.memory_space<vmem>>, vector<16xf32>,
            tpu.vector_store %arg8[%swap3A_137, %swap3A_138], %broadcast_in_dim3A_33 {strides = array<i32>} : memref<32x1024xf32, #tpu.memory_space<vmem>>, vector<16xf32>,
            %swap3A_140 = arith.index_cast %while3A_98 : i32 to index
            %swap3A_141 = arith.constant 224 : index
            %swap3A_142 = tpu.vector_load %arg8[%swap3A_140, %swap3A_141] {strides = array<i32>} : memref<32x1024xf32, #tpu.memory_space<vmem>>, vector<16xf32>,
            tpu.vector_store %arg8[%swap3A_140, %swap3A_141], %broadcast_in_dim3A_33 {strides = array<i32>} : memref<32x1024xf32, #tpu.memory_space<vmem>>, vector<16xf32>,
            %swap3A_143 = arith.index_cast %while3A_98 : i32 to index
            %swap3A_144 = arith.constant 240 : index
            %swap3A_145 = tpu.vector_load %arg8[%swap3A_143, %swap3A_144] {strides = array<i32>} : memref<32x1024xf32, #tpu.memory_space<vmem>>, vector<16xf32>,
            tpu.vector_store %arg8[%swap3A_143, %swap3A_144], %broadcast_in_dim3A_33 {strides = array<i32>} : memref<32x1024xf32, #tpu.memory_space<vmem>>, vector<16xf32>,
            %swap3A_146 = arith.index_cast %while3A_98 : i32 to index
            %swap3A_147 = arith.constant 256 : index
            %swap3A_148 = tpu.vector_load %arg8[%swap3A_146, %swap3A_147] {strides = array<i32>} : memref<32x1024xf32, #tpu.memory_space<vmem>>, vector<16xf32>,
            tpu.vector_store %arg8[%swap3A_146, %swap3A_147], %broadcast_in_dim3A_33 {strides = array<i32>} : memref<32x1024xf32, #tpu.memory_space<vmem>>, vector<16xf32>,
            %swap3A_149 = arith.index_cast %while3A_98 : i32 to index
            %swap3A_150 = arith.constant 272 : index
            %swap3A_151 = tpu.vector_load %arg8[%swap3A_149, %swap3A_150] {strides = array<i32>} : memref<32x1024xf32, #tpu.memory_space<vmem>>, vector<16xf32>,
            tpu.vector_store %arg8[%swap3A_149, %swap3A_150], %broadcast_in_dim3A_33 {strides = array<i32>} : memref<32x1024xf32, #tpu.memory_space<vmem>>, vector<16xf32>,
            %swap3A_152 = arith.index_cast %while3A_98 : i32 to index
            %swap3A_153 = arith.constant 288 : index
            %swap3A_154 = tpu.vector_load %arg8[%swap3A_152, %swap3A_153] {strides = array<i32>} : memref<32x1024xf32, #tpu.memory_space<vmem>>, vector<16xf32>,
            tpu.vector_store %arg8[%swap3A_152, %swap3A_153], %broadcast_in_dim3A_33 {strides = array<i32>} : memref<32x1024xf32, #tpu.memory_space<vmem>>, vector<16xf32>,
            %swap3A_155 = arith.index_cast %while3A_98 : i32 to index
            %swap3A_156 = arith.constant 304 : index
            %swap3A_157 = tpu.vector_load %arg8[%swap3A_155, %swap3A_156] {strides = array<i32>} : memref<32x1024xf32, #tpu.memory_space<vmem>>, vector<16xf32>,
            tpu.vector_store %arg8[%swap3A_155, %swap3A_156], %broadcast_in_dim3A_33 {strides = array<i32>} : memref<32x1024xf32, #tpu.memory_space<vmem>>, vector<16xf32>,
            %swap3A_158 = arith.index_cast %while3A_98 : i32 to index
            %swap3A_159 = arith.constant 320 : index
            %swap3A_160 = tpu.vector_load %arg8[%swap3A_158, %swap3A_159] {strides = array<i32>} : memref<32x1024xf32, #tpu.memory_space<vmem>>, vector<16xf32>,
            tpu.vector_store %arg8[%swap3A_158, %swap3A_159], %broadcast_in_dim3A_33 {strides = array<i32>} : memref<32x1024xf32, #tpu.memory_space<vmem>>, vector<16xf32>,
            %swap3A_161 = arith.index_cast %while3A_98 : i32 to index
            %swap3A_162 = arith.constant 336 : index
            %swap3A_163 = tpu.vector_load %arg8[%swap3A_161, %swap3A_162] {strides = array<i32>} : memref<32x1024xf32, #tpu.memory_space<vmem>>, vector<16xf32>,
            tpu.vector_store %arg8[%swap3A_161, %swap3A_162], %broadcast_in_dim3A_33 {strides = array<i32>} : memref<32x1024xf32, #tpu.memory_space<vmem>>, vector<16xf32>,
            %swap3A_164 = arith.index_cast %while3A_98 : i32 to index
            %swap3A_165 = arith.constant 352 : index
            %swap3A_166 = tpu.vector_load %arg8[%swap3A_164, %swap3A_165] {strides = array<i32>} : memref<32x1024xf32, #tpu.memory_space<vmem>>, vector<16xf32>,
            tpu.vector_store %arg8[%swap3A_164, %swap3A_165], %broadcast_in_dim3A_33 {strides = array<i32>} : memref<32x1024xf32, #tpu.memory_space<vmem>>, vector<16xf32>,
            %swap3A_167 = arith.index_cast %while3A_98 : i32 to index
            %swap3A_168 = arith.constant 368 : index
            %swap3A_169 = tpu.vector_load %arg8[%swap3A_167, %swap3A_168] {strides = array<i32>} : memref<32x1024xf32, #tpu.memory_space<vmem>>, vector<16xf32>,
            tpu.vector_store %arg8[%swap3A_167, %swap3A_168], %broadcast_in_dim3A_33 {strides = array<i32>} : memref<32x1024xf32, #tpu.memory_space<vmem>>, vector<16xf32>,
            %swap3A_170 = arith.index_cast %while3A_98 : i32 to index
            %swap3A_171 = arith.constant 384 : index
            %swap3A_172 = tpu.vector_load %arg8[%swap3A_170, %swap3A_171] {strides = array<i32>} : memref<32x1024xf32, #tpu.memory_space<vmem>>, vector<16xf32>,
            tpu.vector_store %arg8[%swap3A_170, %swap3A_171], %broadcast_in_dim3A_33 {strides = array<i32>} : memref<32x1024xf32, #tpu.memory_space<vmem>>, vector<16xf32>,
            %swap3A_173 = arith.index_cast %while3A_98 : i32 to index
            %swap3A_174 = arith.constant 400 : index
            %swap3A_175 = tpu.vector_load %arg8[%swap3A_173, %swap3A_174] {strides = array<i32>} : memref<32x1024xf32, #tpu.memory_space<vmem>>, vector<16xf32>,
            tpu.vector_store %arg8[%swap3A_173, %swap3A_174], %broadcast_in_dim3A_33 {strides = array<i32>} : memref<32x1024xf32, #tpu.memory_space<vmem>>, vector<16xf32>,
            %swap3A_176 = arith.index_cast %while3A_98 : i32 to index
            %swap3A_177 = arith.constant 416 : index
            %swap3A_178 = tpu.vector_load %arg8[%swap3A_176, %swap3A_177] {strides = array<i32>} : memref<32x1024xf32, #tpu.memory_space<vmem>>, vector<16xf32>,
            tpu.vector_store %arg8[%swap3A_176, %swap3A_177], %broadcast_in_dim3A_33 {strides = array<i32>} : memref<32x1024xf32, #tpu.memory_space<vmem>>, vector<16xf32>,
            %swap3A_179 = arith.index_cast %while3A_98 : i32 to index
            %swap3A_180 = arith.constant 432 : index
            %swap3A_181 = tpu.vector_load %arg8[%swap3A_179, %swap3A_180] {strides = array<i32>} : memref<32x1024xf32, #tpu.memory_space<vmem>>, vector<16xf32>,
            tpu.vector_store %arg8[%swap3A_179, %swap3A_180], %broadcast_in_dim3A_33 {strides = array<i32>} : memref<32x1024xf32, #tpu.memory_space<vmem>>, vector<16xf32>,
            %swap3A_182 = arith.index_cast %while3A_98 : i32 to index
            %swap3A_183 = arith.constant 448 : index
            %swap3A_184 = tpu.vector_load %arg8[%swap3A_182, %swap3A_183] {strides = array<i32>} : memref<32x1024xf32, #tpu.memory_space<vmem>>, vector<16xf32>,
            tpu.vector_store %arg8[%swap3A_182, %swap3A_183], %broadcast_in_dim3A_33 {strides = array<i32>} : memref<32x1024xf32, #tpu.memory_space<vmem>>, vector<16xf32>,
            %swap3A_185 = arith.index_cast %while3A_98 : i32 to index
            %swap3A_186 = arith.constant 464 : index
            %swap3A_187 = tpu.vector_load %arg8[%swap3A_185, %swap3A_186] {strides = array<i32>} : memref<32x1024xf32, #tpu.memory_space<vmem>>, vector<16xf32>,
            tpu.vector_store %arg8[%swap3A_185, %swap3A_186], %broadcast_in_dim3A_33 {strides = array<i32>} : memref<32x1024xf32, #tpu.memory_space<vmem>>, vector<16xf32>,
            %swap3A_188 = arith.index_cast %while3A_98 : i32 to index
            %swap3A_189 = arith.constant 480 : index
            %swap3A_190 = tpu.vector_load %arg8[%swap3A_188, %swap3A_189] {strides = array<i32>} : memref<32x1024xf32, #tpu.memory_space<vmem>>, vector<16xf32>,
            tpu.vector_store %arg8[%swap3A_188, %swap3A_189], %broadcast_in_dim3A_33 {strides = array<i32>} : memref<32x1024xf32, #tpu.memory_space<vmem>>, vector<16xf32>,
            %swap3A_191 = arith.index_cast %while3A_98 : i32 to index
            %swap3A_192 = arith.constant 496 : index
            %swap3A_193 = tpu.vector_load %arg8[%swap3A_191, %swap3A_192] {strides = array<i32>} : memref<32x1024xf32, #tpu.memory_space<vmem>>, vector<16xf32>,
            tpu.vector_store %arg8[%swap3A_191, %swap3A_192], %broadcast_in_dim3A_33 {strides = array<i32>} : memref<32x1024xf32, #tpu.memory_space<vmem>>, vector<16xf32>,
            %swap3A_194 = arith.index_cast %while3A_98 : i32 to index
            %swap3A_195 = arith.constant 512 : index
            %swap3A_196 = tpu.vector_load %arg8[%swap3A_194, %swap3A_195] {strides = array<i32>} : memref<32x1024xf32, #tpu.memory_space<vmem>>, vector<16xf32>,
            tpu.vector_store %arg8[%swap3A_194, %swap3A_195], %broadcast_in_dim3A_33 {strides = array<i32>} : memref<32x1024xf32, #tpu.memory_space<vmem>>, vector<16xf32>,
            %swap3A_197 = arith.index_cast %while3A_98 : i32 to index
            %swap3A_198 = arith.constant 528 : index
            %swap3A_199 = tpu.vector_load %arg8[%swap3A_197, %swap3A_198] {strides = array<i32>} : memref<32x1024xf32, #tpu.memory_space<vmem>>, vector<16xf32>,
            tpu.vector_store %arg8[%swap3A_197, %swap3A_198], %broadcast_in_dim3A_33 {strides = array<i32>} : memref<32x1024xf32, #tpu.memory_space<vmem>>, vector<16xf32>,
            %swap3A_200 = arith.index_cast %while3A_98 : i32 to index
            %swap3A_201 = arith.constant 544 : index
            %swap3A_202 = tpu.vector_load %arg8[%swap3A_200, %swap3A_201] {strides = array<i32>} : memref<32x1024xf32, #tpu.memory_space<vmem>>, vector<16xf32>,
            tpu.vector_store %arg8[%swap3A_200, %swap3A_201], %broadcast_in_dim3A_33 {strides = array<i32>} : memref<32x1024xf32, #tpu.memory_space<vmem>>, vector<16xf32>,
            %swap3A_203 = arith.index_cast %while3A_98 : i32 to index
            %swap3A_204 = arith.constant 560 : index
            %swap3A_205 = tpu.vector_load %arg8[%swap3A_203, %swap3A_204] {strides = array<i32>} : memref<32x1024xf32, #tpu.memory_space<vmem>>, vector<16xf32>,
            tpu.vector_store %arg8[%swap3A_203, %swap3A_204], %broadcast_in_dim3A_33 {strides = array<i32>} : memref<32x1024xf32, #tpu.memory_space<vmem>>, vector<16xf32>,
            %swap3A_206 = arith.index_cast %while3A_98 : i32 to index
            %swap3A_207 = arith.constant 576 : index
            %swap3A_208 = tpu.vector_load %arg8[%swap3A_206, %swap3A_207] {strides = array<i32>} : memref<32x1024xf32, #tpu.memory_space<vmem>>, vector<16xf32>,
            tpu.vector_store %arg8[%swap3A_206, %swap3A_207], %broadcast_in_dim3A_33 {strides = array<i32>} : memref<32x1024xf32, #tpu.memory_space<vmem>>, vector<16xf32>,
            %swap3A_209 = arith.index_cast %while3A_98 : i32 to index
            %swap3A_210 = arith.constant 592 : index
            %swap3A_211 = tpu.vector_load %arg8[%swap3A_209, %swap3A_210] {strides = array<i32>} : memref<32x1024xf32, #tpu.memory_space<vmem>>, vector<16xf32>,
            tpu.vector_store %arg8[%swap3A_209, %swap3A_210], %broadcast_in_dim3A_33 {strides = array<i32>} : memref<32x1024xf32, #tpu.memory_space<vmem>>, vector<16xf32>,
            %swap3A_212 = arith.index_cast %while3A_98 : i32 to index
            %swap3A_213 = arith.constant 608 : index
            %swap3A_214 = tpu.vector_load %arg8[%swap3A_212, %swap3A_213] {strides = array<i32>} : memref<32x1024xf32, #tpu.memory_space<vmem>>, vector<16xf32>,
            tpu.vector_store %arg8[%swap3A_212, %swap3A_213], %broadcast_in_dim3A_33 {strides = array<i32>} : memref<32x1024xf32, #tpu.memory_space<vmem>>, vector<16xf32>,
            %swap3A_215 = arith.index_cast %while3A_98 : i32 to index
            %swap3A_216 = arith.constant 624 : index
            %swap3A_217 = tpu.vector_load %arg8[%swap3A_215, %swap3A_216] {strides = array<i32>} : memref<32x1024xf32, #tpu.memory_space<vmem>>, vector<16xf32>,
            tpu.vector_store %arg8[%swap3A_215, %swap3A_216], %broadcast_in_dim3A_33 {strides = array<i32>} : memref<32x1024xf32, #tpu.memory_space<vmem>>, vector<16xf32>,
            %swap3A_218 = arith.index_cast %while3A_98 : i32 to index
            %swap3A_219 = arith.constant 640 : index
            %swap3A_220 = tpu.vector_load %arg8[%swap3A_218, %swap3A_219] {strides = array<i32>} : memref<32x1024xf32, #tpu.memory_space<vmem>>, vector<16xf32>,
            tpu.vector_store %arg8[%swap3A_218, %swap3A_219], %broadcast_in_dim3A_33 {strides = array<i32>} : memref<32x1024xf32, #tpu.memory_space<vmem>>, vector<16xf32>,
            %swap3A_221 = arith.index_cast %while3A_98 : i32 to index
            %swap3A_222 = arith.constant 656 : index
            %swap3A_223 = tpu.vector_load %arg8[%swap3A_221, %swap3A_222] {strides = array<i32>} : memref<32x1024xf32, #tpu.memory_space<vmem>>, vector<16xf32>,
            tpu.vector_store %arg8[%swap3A_221, %swap3A_222], %broadcast_in_dim3A_33 {strides = array<i32>} : memref<32x1024xf32, #tpu.memory_space<vmem>>, vector<16xf32>,
            %swap3A_224 = arith.index_cast %while3A_98 : i32 to index
            %swap3A_225 = arith.constant 672 : index
            %swap3A_226 = tpu.vector_load %arg8[%swap3A_224, %swap3A_225] {strides = array<i32>} : memref<32x1024xf32, #tpu.memory_space<vmem>>, vector<16xf32>,
            tpu.vector_store %arg8[%swap3A_224, %swap3A_225], %broadcast_in_dim3A_33 {strides = array<i32>} : memref<32x1024xf32, #tpu.memory_space<vmem>>, vector<16xf32>,
            %swap3A_227 = arith.index_cast %while3A_98 : i32 to index
            %swap3A_228 = arith.constant 688 : index
            %swap3A_229 = tpu.vector_load %arg8[%swap3A_227, %swap3A_228] {strides = array<i32>} : memref<32x1024xf32, #tpu.memory_space<vmem>>, vector<16xf32>,
            tpu.vector_store %arg8[%swap3A_227, %swap3A_228], %broadcast_in_dim3A_33 {strides = array<i32>} : memref<32x1024xf32, #tpu.memory_space<vmem>>, vector<16xf32>,
            %swap3A_230 = arith.index_cast %while3A_98 : i32 to index
            %swap3A_231 = arith.constant 704 : index
            %swap3A_232 = tpu.vector_load %arg8[%swap3A_230, %swap3A_231] {strides = array<i32>} : memref<32x1024xf32, #tpu.memory_space<vmem>>, vector<16xf32>,
            tpu.vector_store %arg8[%swap3A_230, %swap3A_231], %broadcast_in_dim3A_33 {strides = array<i32>} : memref<32x1024xf32, #tpu.memory_space<vmem>>, vector<16xf32>,
            %swap3A_233 = arith.index_cast %while3A_98 : i32 to index
            %swap3A_234 = arith.constant 720 : index
            %swap3A_235 = tpu.vector_load %arg8[%swap3A_233, %swap3A_234] {strides = array<i32>} : memref<32x1024xf32, #tpu.memory_space<vmem>>, vector<16xf32>,
            tpu.vector_store %arg8[%swap3A_233, %swap3A_234], %broadcast_in_dim3A_33 {strides = array<i32>} : memref<32x1024xf32, #tpu.memory_space<vmem>>, vector<16xf32>,
            %swap3A_236 = arith.index_cast %while3A_98 : i32 to index
            %swap3A_237 = arith.constant 736 : index
            %swap3A_238 = tpu.vector_load %arg8[%swap3A_236, %swap3A_237] {strides = array<i32>} : memref<32x1024xf32, #tpu.memory_space<vmem>>, vector<16xf32>,
            tpu.vector_store %arg8[%swap3A_236, %swap3A_237], %broadcast_in_dim3A_33 {strides = array<i32>} : memref<32x1024xf32, #tpu.memory_space<vmem>>, vector<16xf32>,
            %swap3A_239 = arith.index_cast %while3A_98 : i32 to index
            %swap3A_240 = arith.constant 752 : index
            %swap3A_241 = tpu.vector_load %arg8[%swap3A_239, %swap3A_240] {strides = array<i32>} : memref<32x1024xf32, #tpu.memory_space<vmem>>, vector<16xf32>,
            tpu.vector_store %arg8[%swap3A_239, %swap3A_240], %broadcast_in_dim3A_33 {strides = array<i32>} : memref<32x1024xf32, #tpu.memory_space<vmem>>, vector<16xf32>,
            %swap3A_242 = arith.index_cast %while3A_98 : i32 to index
            %swap3A_243 = arith.constant 768 : index
            %swap3A_244 = tpu.vector_load %arg8[%swap3A_242, %swap3A_243] {strides = array<i32>} : memref<32x1024xf32, #tpu.memory_space<vmem>>, vector<16xf32>,
            tpu.vector_store %arg8[%swap3A_242, %swap3A_243], %broadcast_in_dim3A_33 {strides = array<i32>} : memref<32x1024xf32, #tpu.memory_space<vmem>>, vector<16xf32>,
            %swap3A_245 = arith.index_cast %while3A_98 : i32 to index
            %swap3A_246 = arith.constant 784 : index
            %swap3A_247 = tpu.vector_load %arg8[%swap3A_245, %swap3A_246] {strides = array<i32>} : memref<32x1024xf32, #tpu.memory_space<vmem>>, vector<16xf32>,
            tpu.vector_store %arg8[%swap3A_245, %swap3A_246], %broadcast_in_dim3A_33 {strides = array<i32>} : memref<32x1024xf32, #tpu.memory_space<vmem>>, vector<16xf32>,
            %swap3A_248 = arith.index_cast %while3A_98 : i32 to index
            %swap3A_249 = arith.constant 800 : index
            %swap3A_250 = tpu.vector_load %arg8[%swap3A_248, %swap3A_249] {strides = array<i32>} : memref<32x1024xf32, #tpu.memory_space<vmem>>, vector<16xf32>,
            tpu.vector_store %arg8[%swap3A_248, %swap3A_249], %broadcast_in_dim3A_33 {strides = array<i32>} : memref<32x1024xf32, #tpu.memory_space<vmem>>, vector<16xf32>,
            %swap3A_251 = arith.index_cast %while3A_98 : i32 to index
            %swap3A_252 = arith.constant 816 : index
            %swap3A_253 = tpu.vector_load %arg8[%swap3A_251, %swap3A_252] {strides = array<i32>} : memref<32x1024xf32, #tpu.memory_space<vmem>>, vector<16xf32>,
            tpu.vector_store %arg8[%swap3A_251, %swap3A_252], %broadcast_in_dim3A_33 {strides = array<i32>} : memref<32x1024xf32, #tpu.memory_space<vmem>>, vector<16xf32>,
            %swap3A_254 = arith.index_cast %while3A_98 : i32 to index
            %swap3A_255 = arith.constant 832 : index
            %swap3A_256 = tpu.vector_load %arg8[%swap3A_254, %swap3A_255] {strides = array<i32>} : memref<32x1024xf32, #tpu.memory_space<vmem>>, vector<16xf32>,
            tpu.vector_store %arg8[%swap3A_254, %swap3A_255], %broadcast_in_dim3A_33 {strides = array<i32>} : memref<32x1024xf32, #tpu.memory_space<vmem>>, vector<16xf32>,
            %swap3A_257 = arith.index_cast %while3A_98 : i32 to index
            %swap3A_258 = arith.constant 848 : index
            %swap3A_259 = tpu.vector_load %arg8[%swap3A_257, %swap3A_258] {strides = array<i32>} : memref<32x1024xf32, #tpu.memory_space<vmem>>, vector<16xf32>,
            tpu.vector_store %arg8[%swap3A_257, %swap3A_258], %broadcast_in_dim3A_33 {strides = array<i32>} : memref<32x1024xf32, #tpu.memory_space<vmem>>, vector<16xf32>,
            %swap3A_260 = arith.index_cast %while3A_98 : i32 to index
            %swap3A_261 = arith.constant 864 : index
            %swap3A_262 = tpu.vector_load %arg8[%swap3A_260, %swap3A_261] {strides = array<i32>} : memref<32x1024xf32, #tpu.memory_space<vmem>>, vector<16xf32>,
            tpu.vector_store %arg8[%swap3A_260, %swap3A_261], %broadcast_in_dim3A_33 {strides = array<i32>} : memref<32x1024xf32, #tpu.memory_space<vmem>>, vector<16xf32>,
            %swap3A_263 = arith.index_cast %while3A_98 : i32 to index
            %swap3A_264 = arith.constant 880 : index
            %swap3A_265 = tpu.vector_load %arg8[%swap3A_263, %swap3A_264] {strides = array<i32>} : memref<32x1024xf32, #tpu.memory_space<vmem>>, vector<16xf32>,
            tpu.vector_store %arg8[%swap3A_263, %swap3A_264], %broadcast_in_dim3A_33 {strides = array<i32>} : memref<32x1024xf32, #tpu.memory_space<vmem>>, vector<16xf32>,
            %swap3A_266 = arith.index_cast %while3A_98 : i32 to index
            %swap3A_267 = arith.constant 896 : index
            %swap3A_268 = tpu.vector_load %arg8[%swap3A_266, %swap3A_267] {strides = array<i32>} : memref<32x1024xf32, #tpu.memory_space<vmem>>, vector<16xf32>,
            tpu.vector_store %arg8[%swap3A_266, %swap3A_267], %broadcast_in_dim3A_33 {strides = array<i32>} : memref<32x1024xf32, #tpu.memory_space<vmem>>, vector<16xf32>,
            %swap3A_269 = arith.index_cast %while3A_98 : i32 to index
            %swap3A_270 = arith.constant 912 : index
            %swap3A_271 = tpu.vector_load %arg8[%swap3A_269, %swap3A_270] {strides = array<i32>} : memref<32x1024xf32, #tpu.memory_space<vmem>>, vector<16xf32>,
            tpu.vector_store %arg8[%swap3A_269, %swap3A_270], %broadcast_in_dim3A_33 {strides = array<i32>} : memref<32x1024xf32, #tpu.memory_space<vmem>>, vector<16xf32>,
            %swap3A_272 = arith.index_cast %while3A_98 : i32 to index
            %swap3A_273 = arith.constant 928 : index
            %swap3A_274 = tpu.vector_load %arg8[%swap3A_272, %swap3A_273] {strides = array<i32>} : memref<32x1024xf32, #tpu.memory_space<vmem>>, vector<16xf32>,
            tpu.vector_store %arg8[%swap3A_272, %swap3A_273], %broadcast_in_dim3A_33 {strides = array<i32>} : memref<32x1024xf32, #tpu.memory_space<vmem>>, vector<16xf32>,
            %swap3A_275 = arith.index_cast %while3A_98 : i32 to index
            %swap3A_276 = arith.constant 944 : index
            %swap3A_277 = tpu.vector_load %arg8[%swap3A_275, %swap3A_276] {strides = array<i32>} : memref<32x1024xf32, #tpu.memory_space<vmem>>, vector<16xf32>,
            tpu.vector_store %arg8[%swap3A_275, %swap3A_276], %broadcast_in_dim3A_33 {strides = array<i32>} : memref<32x1024xf32, #tpu.memory_space<vmem>>, vector<16xf32>,
            %swap3A_278 = arith.index_cast %while3A_98 : i32 to index
            %swap3A_279 = arith.constant 960 : index
            %swap3A_280 = tpu.vector_load %arg8[%swap3A_278, %swap3A_279] {strides = array<i32>} : memref<32x1024xf32, #tpu.memory_space<vmem>>, vector<16xf32>,
            tpu.vector_store %arg8[%swap3A_278, %swap3A_279], %broadcast_in_dim3A_33 {strides = array<i32>} : memref<32x1024xf32, #tpu.memory_space<vmem>>, vector<16xf32>,
            %swap3A_281 = arith.index_cast %while3A_98 : i32 to index
            %swap3A_282 = arith.constant 976 : index
            %swap3A_283 = tpu.vector_load %arg8[%swap3A_281, %swap3A_282] {strides = array<i32>} : memref<32x1024xf32, #tpu.memory_space<vmem>>, vector<16xf32>,
            tpu.vector_store %arg8[%swap3A_281, %swap3A_282], %broadcast_in_dim3A_33 {strides = array<i32>} : memref<32x1024xf32, #tpu.memory_space<vmem>>, vector<16xf32>,
            %swap3A_284 = arith.index_cast %while3A_98 : i32 to index
            %swap3A_285 = arith.constant 992 : index
            %swap3A_286 = tpu.vector_load %arg8[%swap3A_284, %swap3A_285] {strides = array<i32>} : memref<32x1024xf32, #tpu.memory_space<vmem>>, vector<16xf32>,
            tpu.vector_store %arg8[%swap3A_284, %swap3A_285], %broadcast_in_dim3A_33 {strides = array<i32>} : memref<32x1024xf32, #tpu.memory_space<vmem>>, vector<16xf32>,
            %swap3A_287 = arith.index_cast %while3A_98 : i32 to index
            %swap3A_288 = arith.constant 1008 : index
            %swap3A_289 = tpu.vector_load %arg8[%swap3A_287, %swap3A_288] {strides = array<i32>} : memref<32x1024xf32, #tpu.memory_space<vmem>>, vector<16xf32>,
            tpu.vector_store %arg8[%swap3A_287, %swap3A_288], %broadcast_in_dim3A_33 {strides = array<i32>} : memref<32x1024xf32, #tpu.memory_space<vmem>>, vector<16xf32>,
          }
        } else {
        }
        "tpu.region"() ({
          %run_scoped3A = tpu.sem_alloc : memref<!tpu.dma_semaphore, #tpu.memory_space<semaphore_mem>>
          %dma_start3A_89 = arith.constant 0 : i32
          %dma_start3A_90 = tpu.memref_slice %arg4[%add3A_68, %dma_start3A_89] : memref<32768x1024xf32, #tpu.memory_space<hbm>> -> memref<32x1024xf32, #tpu.memory_space<hbm>>
          %dma_start3A_91 = arith.constant 0 : i32
          %dma_start3A_92 = tpu.memref_slice %arg4[%add3A_68, %dma_start3A_91] : memref<32768x1024xf32, #tpu.memory_space<hbm>> -> memref<32x1024xf32, #tpu.memory_space<hbm>>
          tpu.enqueue_dma source(%arg8 : memref<32x1024xf32, #tpu.memory_space<vmem>>) target(%dma_start3A_92 : memref<32x1024xf32, #tpu.memory_space<hbm>>) target_semaphore(%run_scoped3A : memref<!tpu.dma_semaphore, #tpu.memory_space<semaphore_mem>>)
          %dma_wait3A_93 = arith.constant 0 : i32
          %dma_wait3A_94 = tpu.memref_slice %arg4[%add3A_68, %dma_wait3A_93] : memref<32768x1024xf32, #tpu.memory_space<hbm>> -> memref<32x1024xf32, #tpu.memory_space<hbm>>
          %dma_wait3A_95 = arith.constant 0 : i32
          %dma_wait3A_96 = tpu.memref_slice %arg4[%add3A_68, %dma_wait3A_95] : memref<32768x1024xf32, #tpu.memory_space<hbm>> -> memref<32x1024xf32, #tpu.memory_space<hbm>>
          tpu.wait_dma2 semaphore(%run_scoped3A : memref<!tpu.dma_semaphore, #tpu.memory_space<semaphore_mem>>) src(%arg8 : memref<32x1024xf32, #tpu.memory_space<vmem>>) dst(%dma_wait3A_96 : memref<32x1024xf32, #tpu.memory_space<hbm>>)
          tpu.yield
        }) : () -> ()
      } else {
      }
      %le3A = arith.constant 0 : i32
      %le3A_74 = arith.cmpi sle, %sub3A_69, %le3A : i32
      %convert_element_type3A_75 = arith.extui %le3A_74 : i1 to i32
      %cond3A_76 = arith.constant 0 : i32
      %cond3A_77 = arith.cmpi ne, %convert_element_type3A_75, %cond3A_76 : i32
      scf.if %cond3A_77 {
        "tpu.region"() ({
          %run_scoped3A = tpu.sem_alloc : memref<!tpu.dma_semaphore, #tpu.memory_space<semaphore_mem>>
          %dma_start3A = arith.constant 0 : i32
          %dma_start3A_78 = tpu.memref_slice %arg4[%add3A_68, %dma_start3A] : memref<32768x1024xf32, #tpu.memory_space<hbm>> -> memref<32x1024xf32, #tpu.memory_space<hbm>>
          %dma_start3A_79 = arith.constant 0 : i32
          %dma_start3A_80 = tpu.memref_slice %arg4[%add3A_68, %dma_start3A_79] : memref<32768x1024xf32, #tpu.memory_space<hbm>> -> memref<32x1024xf32, #tpu.memory_space<hbm>>
          tpu.enqueue_dma source(%arg9 : memref<32x1024xf32, #tpu.memory_space<vmem>>) target(%dma_start3A_80 : memref<32x1024xf32, #tpu.memory_space<hbm>>) target_semaphore(%run_scoped3A : memref<!tpu.dma_semaphore, #tpu.memory_space<semaphore_mem>>)
          %dma_wait3A = arith.constant 0 : i32
          %dma_wait3A_81 = tpu.memref_slice %arg4[%add3A_68, %dma_wait3A] : memref<32768x1024xf32, #tpu.memory_space<hbm>> -> memref<32x1024xf32, #tpu.memory_space<hbm>>
          %dma_wait3A_82 = arith.constant 0 : i32
          %dma_wait3A_83 = tpu.memref_slice %arg4[%add3A_68, %dma_wait3A_82] : memref<32768x1024xf32, #tpu.memory_space<hbm>> -> memref<32x1024xf32, #tpu.memory_space<hbm>>
          tpu.wait_dma2 semaphore(%run_scoped3A : memref<!tpu.dma_semaphore, #tpu.memory_space<semaphore_mem>>) src(%arg9 : memref<32x1024xf32, #tpu.memory_space<vmem>>) dst(%dma_wait3A_83 : memref<32x1024xf32, #tpu.memory_space<hbm>>)
          tpu.yield
        }) : () -> ()
      } else {
      }
    }
    %scan3A_61 = arith.constant 32 : i32
    return
  }
}

</mosaic_0001>

<sc_bundles>
// kernel: kernel.3.cloned.1.call-start
scs
__scs_entry_jumppad:
0x0: {  	(pc) =	sbr.rel $0x88, $3  }
0x1: {  	(tag) =	ssettag $0x0;
	lr =	simm.s32 $0x1  }
0x2: {  	[smem:$0x3F9F] =	sst lr;
	_ =	strace $0xD0000000  }
0x3: {  	_ = 	snop  }
0x4: {  	_ = 	snop  }
0x5: {  	_ = 	snop  }
0x6: {  	_ = 	snop  }
0x7: {  	_ = 	snop  }
__scs_overlays_trampoline_lowered:
0x8: {  	[smem:$0x3FAE] =	sst s0  }
0x9: {  	[smem:$0x3FAF] =	sst s1  }
0xa: {  	[smem:$0x3FB0] =	sst s2  }
0xb: {  	[smem:$0x3FB1] =	sst s3  }
0xc: {  	[smem:$0x3FB2] =	sst s4  }
0xd: {  	[smem:$0x3FB3] =	sst s5  }
0xe: {  	[smem:$0x3FB4] =	sst s6  }
0xf: {  	[smem:$0x3FB5] =	sst s7  }
0x10: {  	[smem:$0x3FB6] =	sst s8  }
0x11: {  	[smem:$0x3FB7] =	sst s9;
	s0 =	simm.s32 @!p0 $0x0  }
0x12: {  	s1 =	sld [smem:$0x3F9D];
	s0 =	simm.s32 @p0 $0x1  }
0x13: {  	[smem:$0x3FB8] =	sst s0;
	s0 =	simm.s32 @!p1 $0x0  }
0x14: {  	s2 =	sld [smem:$0x3F9C];
	s0 =	simm.s32 @p1 $0x1  }
0x15: {  	[smem:$0x3FB9] =	sst s0;
	s0 =	simm.s32 @!p2 $0x0  }
0x16: {  	s3 =	sld [smem:$0x3FDB];
	s0 =	simm.s32 @p2 $0x1  }
0x17: {  	s4 =	simm.s32 $0x1BF5;
	[smem:$0x3FBB] =	sst s0  }
0x18: {  	s0 =	sld [smem:$0x3F9E];
	_ =	swait.ge [sflag:s4], $0x0  }
0x19: {  	s7 =	sld [smem:$0x3F9F]  }
0x1a: {  	s8 =	sadd.s32 $0xFFFFE003, lr  }
0x1b: {  	s9 =	sadd.s32 $0xFFFFFEF7, lr;
	s5 =	simm.s32 $0xFFFFFFFF;
	p2 =	slt.u32 s8, $0xFFFFF086  }
0x1c: {  	p1 =	slt.u32 s9, $0xF7A;
	s5 =	simm.s32 @!p2 $0x0  }
0x1d: {  	s5 =	simm.s32 @p1 $0x1;
	p0 =	seq.s32 s7, s2  }
0x1e: {  	s7 =	smul.u32 @!p0 $0xF7A, s2;
	p2 =	seq.s32 @!p0 s5, $0x0  }
0x1f: {  	s9 =	smul.u32 $0xF7A, s1;
	s8 =	simm.s32 @!p0 $0x1BF5;
	p2 =	por !p2, p0  }
0x20: {  	[sflag:s8] =	ssyncset.s32 @!p0 $0xFFFFF086;
	s6 =	sadd.s32 @!p0 s3, s7;
	s7 =	simm.s32 @!p0 $0x108  }
0x21: {  	s3 =	sadd.s32 s3, s9;
	s6 =	sadd.s32 @!p0 $0x88, s6;
	s7 =	simm.s32 @p2 $0x1082  }
0x22: {  	[simem:s7], [sflag:s8] =	dma.local @!p0 [hbm:s6], $0xF7A  }
0x23: {  	s9 =	sor.u32 $0xD0000000, s2;
	s6 =	simm.s32 $0x108;
	_ =	swait.ge @!p0 [sflag:s8], $0x0  }
0x24: {  	s3 =	sadd.s32 $0x88, s3;
	s6 =	simm.s32 @!p1 $0x1082;
	[sflag:s4] =	ssyncset.s32 $0xFFFFF086  }
0x25: {  	[simem:s6], [sflag:s4] =	dma.local [hbm:s3], $0xF7A  }
0x26: {  	[smem:$0x3F9F] =	sst s1;
	(tag) =	ssettag s2;
	_ =	strace s9  }
0x27: {  	s1 =	sld [smem:$0x3FAF]  }
0x28: {  	s2 =	sld [smem:$0x3FB0]  }
0x29: {  	s4 =	sld [smem:$0x3FB2]  }
0x2a: {  	p0 =	seq.s32 s5, $0x0;
	s5 =	sld [smem:$0x3FB3]  }
0x2b: {  	s6 =	sld [smem:$0x3FB4]  }
0x2c: {  	s7 =	sld [smem:$0x3FB5]  }
0x2d: {  	s3 =	simm.s32 $0x108;
	s8 =	sld [smem:$0x3FB6]  }
0x2e: {  	s3 =	simm.s32 @!p0 $0x1082;
	s9 =	sld [smem:$0x3FB7]  }
0x2f: {  	lr =	sadd.s32 s0, s3;
	s0 =	sld [smem:$0x3FAE]  }
0x30: {  	s3 =	sld [smem:$0x3FB1]  }
0x31: {  	[smem:$0x3FBA] =	sst s10  }
0x32: {  	s10 =	sld [smem:$0x3FB8];
	_ =	sdelay $0x3  }
0x33: {  	p0 =	seq.s32 s10, $0x1;
	s10 =	sld [smem:$0x3FBA];
	_ =	sdelay $0x3  }
0x34: {  	[smem:$0x3FBA] =	sst s10  }
0x35: {  	s10 =	sld [smem:$0x3FB9];
	_ =	sdelay $0x3  }
0x36: {  	p1 =	seq.s32 s10, $0x1;
	s10 =	sld [smem:$0x3FBA];
	_ =	sdelay $0x3  }
0x37: {  	[smem:$0x3FBA] =	sst s10  }
0x38: {  	s10 =	sld [smem:$0x3FBB]  }
0x39: {  	_ = 	snop;
	(pc) =	sbr.ind lr, $3  }
0x3a: {  	_ = 	snop  }
0x3b: {  	_ = 	snop  }
0x3c: {  	p2 =	seq.s32 s10, $0x1;
	s10 =	sld [smem:$0x3FBA]  }
0x3d: {  	_ =	shalt  }
0x3e: {  	_ =	shalt  }
0x3f: {  	_ =	shalt  }
0x40: {  	_ =	shalt  }
0x41: {  	_ =	shalt  }
0x42: {  	_ =	shalt  }
0x43: {  	_ =	shalt  }
0x44: {  	_ =	shalt  }
0x45: {  	_ =	shalt  }
0x46: {  	_ =	shalt  }
0x47: {  	_ =	shalt  }
0x48: {  	_ =	shalt  }
0x49: {  	_ =	shalt  }
0x4a: {  	_ =	shalt  }
0x4b: {  	_ =	shalt  }
0x4c: {  	_ =	shalt  }
0x4d: {  	_ =	shalt  }
0x4e: {  	_ =	shalt  }
0x4f: {  	_ =	shalt  }
0x50: {  	_ =	shalt  }
0x51: {  	_ =	shalt  }
0x52: {  	_ =	shalt  }
0x53: {  	_ =	shalt  }
0x54: {  	_ =	shalt  }
0x55: {  	_ =	shalt  }
0x56: {  	_ =	shalt  }
0x57: {  	_ =	shalt  }
0x58: {  	_ =	shalt  }
0x59: {  	_ =	shalt  }
0x5a: {  	_ =	shalt  }
0x5b: {  	_ =	shalt  }
0x5c: {  	_ =	shalt  }
0x5d: {  	_ =	shalt  }
0x5e: {  	_ =	shalt  }
0x5f: {  	_ =	shalt  }
0x60: {  	_ =	shalt  }
0x61: {  	_ =	shalt  }
0x62: {  	_ =	shalt  }
0x63: {  	_ =	shalt  }
0x64: {  	_ =	shalt  }
0x65: {  	_ =	shalt  }
0x66: {  	_ =	shalt  }
0x67: {  	_ =	shalt  }
0x68: {  	_ =	shalt  }
0x69: {  	_ =	shalt  }
0x6a: {  	_ =	shalt  }
0x6b: {  	_ =	shalt  }
0x6c: {  	_ =	shalt  }
0x6d: {  	_ =	shalt  }
0x6e: {  	_ =	shalt  }
0x6f: {  	_ =	shalt  }
0x70: {  	_ =	shalt  }
0x71: {  	_ =	shalt  }
0x72: {  	_ =	shalt  }
0x73: {  	_ =	shalt  }
0x74: {  	_ =	shalt  }
0x75: {  	_ =	shalt  }
0x76: {  	_ =	shalt  }
0x77: {  	_ =	shalt  }
0x78: {  	_ =	shalt  }
0x79: {  	_ =	shalt  }
0x7a: {  	_ =	shalt  }
0x7b: {  	_ =	shalt  }
0x7c: {  	_ =	shalt  }
0x7d: {  	_ =	shalt  }
0x7e: {  	_ =	shalt  }
0x7f: {  	_ =	shalt  }
0x80: {  	_ =	shalt  }
0x81: {  	_ =	shalt  }
0x82: {  	_ =	shalt  }
0x83: {  	_ =	shalt  }
0x84: {  	_ =	shalt  }
0x85: {  	_ =	shalt  }
0x86: {  	_ =	shalt  }
0x87: {  	_ =	shalt  }
.Lfunc_end0:
.L_simem_size_0:
called_computation_lowered:
.L_overlay_start_0:
0x88: {  	s2 =	sld [smem:$0x3FD9]  }
0x89: {  	s3 =	sld [smem:$0x3FFE];
	_ =	sdelay $0x1  }
0x8a: {  	s1 =	srdreg.scid  }
0x8b: {  	s0 =	sand.u32 $0x1, s1  }
0x8c: {  	s14 =	sshll.u32 s0, $0xA;
	s2 =	sadd.s32 s3, s2  }
0x8d: {  	s2 =	sadd.s32 s2, s14  }
0x8e: {  	[smem:$0x3FC6] =	sst s2  }
0x8f: {  	_ = 	snop  }
0x90: {  	s2 =	sld [smem:$0x3FD0];
	_ =	sdelay $0x2  }
0x91: {  	s4 =	simm.s32 $0xA;
	s5 =	simm.s32 $0x10;
	s15 =	sld [smem:$0x3FC9]  }
0x92: {  	[smem:s5], [sflag:s4] =	dma.local [hbm:s2], $0x1  }
0x93: {  	_ =	swait.eq [sflag:s4], $0x1  }
0x94: {  	[sflag:s4] =	ssyncset.done $0x0  }
0x95: {  	[sflag:s4] =	ssyncadd.s32 $0xFFFFFFFF  }
0x96: {  	s16 =	sld [smem:$0x10];
	(tm) =	ssettm $0x1  }
0x97: {  	s17 =	sld [smem:$0x3FFB];
	_ =	sdelay $0x3  }
0x98: {  	_ =	strace s17  }
0x99: {  	s4 =	sld [smem:$0x3FFC];
	_ =	sdelay $0x3  }
0x9a: {  	_ =	strace s4  }
0x9b: {  	s4 =	sld [smem:$0x3FFD];
	_ =	sdelay $0x3  }
0x9c: {  	_ =	strace s4  }
0x9d: {  	_ =	strace $0x8FFFFFFF  }
0x9e: {  	s18 =	sld [smem:$0x3FDB];
	_ =	sdelay $0x1  }
0x9f: {  	s19 =	simm.s32 $_scs_section_size  }
0xa0: {  	s6 =	simm.s32 $_size__tile_overlayer_lowered;
	s7 =	simm.s32 $_tile_overlayer_lowered  }
0xa1: {  	s22 =	simm.s32 $0x1BFF;
	s21 =	sshll.u32 s7, $0x1;
	s4 =	sadd.s32 s19, s18  }
0xa2: {  	s8 =	simm.s32 $0x0;
	s20 =	sshll.u32 s6, $0x1;
	s6 =	sadd.s32 s21, s4  }
0xa3: {  	[timem:s8], [sflag:s22] =	dma.local [hbm:s6], s20  }
0xa4: {  	_ =	swait.ge [sflag:s22], s20  }
0xa5: {  	s5 =	ssub.s32 $0x0, s20;
	[sflag:s22] =	ssyncset.done $0x0  }
0xa6: {  	[sflag:s22] =	ssyncadd.s32 s5;
	_ =	sdelay $0x1  }
0xa7: {  	s23 =	simm.s32 $0x1B8B  }
0xa8: {  	_ =	swait.ge [sflag:s23], $0x1  }
0xa9: {  	[sflag:s23] =	ssyncset.done $0x0  }
0xaa: {  	s25 =	simm.s32 $0x1B8E;
	s24 =	sld [smem:$0x3FFE];
	[sflag:s23] =	ssyncadd.s32 $0xFFFFFFFF  }
0xab: {  	s26 =	simm.s32 $execute0_lowered;
	[smem:$0x3FD2] =	sst s25  }
0xac: {  	s6 =	sshll.u32 s26, $0x1;
	_ =	strace $0x80000046;
	[dreg:$0x1] =	wrdreg $0xFFFFFFFF  }
0xad: {  	s28 =	simm.s32 $_size_execute0_lowered;
	s4 =	sadd.s32 s4, s6;
	[dreg:$0x0] =	wrdreg $0x0  }
0xae: {  	s6 =	sshll.u32 s28, $0x1;
	[dreg:$0x2] =	wrdreg s4  }
0xaf: {  	[dreg:$0x3] =	wrdreg s6  }
0xb0: {  	[dreg:$0x4] =	wrdreg $0xC0  }
0xb1: {  	_ =	task [dreg:s8], $0x5FFFF  }
0xb2: {  	[dreg:$0x1] =	wrdreg $0xFFFFFFFF  }
0xb3: {  	[dreg:$0x0] =	wrdreg $0x60  }
0xb4: {  	[dreg:$0x2] =	wrdreg s15  }
0xb5: {  	[dreg:$0x3] =	wrdreg s24  }
0xb6: {  	[dreg:$0x4] =	wrdreg s16  }
0xb7: {  	[dreg:$0x5] =	wrdreg $0x9  }
0xb8: {  	_ =	task.clear_ibuf [dreg:s8], $0x6FFFF;
	_ =	strace $0x90000046  }
0xb9: {  	s29 =	simm.s32 $0x9;
	_ =	strace $0x80000048  }
0xba: {  	_ =	swait.ge [sflag:s29], $0x1  }
0xbb: {  	[sflag:s29] =	ssyncadd.s32 $0xFFFFFFFF  }
0xbc: {  	_ =	strace $0x90000048  }
0xbd: {  	_ =	sfence  }
0xbe: {  	s30 =	sld [smem:$0x0];
	_ =	sdelay $0x2  }
0xbf: {  	s31 =	sshll.u32 s1, $0xD;
	s1 =	sshrl.u32 s1, $0x2  }
0xc0: {  	s3 =	sand.u32 $0x4000, s31;
	s1 =	sadd.s32 s1, s30  }
0xc1: {  	s0 =	sor.u32 s3, s0;
	s1 =	sshll.u32 s1, $0x11  }
0xc2: {  	s0 =	sor.u32 s1, s0  }
0xc3: {  	s0 =	sadd.s32 $0x8F2B, s0  }
0xc4: {  	[sflag:s0] =	ssyncadd.remote.s32 $0x1  }
0xc5: {  	_ =	sfence.sel $0xFFFF  }
0xc6: {  	[dreg:$0x0] =	wrdreg $0xFFFFFFFF;
	(pc) =	sbr.abs _section_cstart, $3  }
0xc7: {  	[dreg:$0x1] =	wrdreg $0xFFFFFFFF  }
0xc8: {  	_ =	task.clear_ibuf [dreg:s8], $0x2FFFF;
	_ =	strace $0x9FFFFFFF  }
0xc9: {  	(tm) =	ssettm $0x7FFFFFFF  }
tec
execute0_lowered:
.L_overlay_start_1:
0x0: {  	(tag) =	ssettag $0x1  }
0x1: {  	s1 =	rddreg [dreg:$0x0]  }
0x2: {  	s0 =	srdreg.scid;
	s2 =	rddreg [dreg:$0x1]  }
0x3: {  	s6 =	stileid.u32;
	s3 =	rddreg [dreg:$0x2];
	s5 =	simm.s32 $0x1  }
0x4: {  	s19 =	simm.s32 $0x800;
	s20 =	simm.s32 $0x1080;
	s29 =	simm.s32 $0x5080  }
0x5: {  	s30 =	simm.s32 $0x5880;
	s31 =	simm.s32 $0x6080;
	s0 =	sand.u32 $0x1, s0  }
0x6: {  	s16 =	simm.s32 $0x7880;
	s17 =	simm.s32 $0x8080;
	s4 =	sor.u32 s0, s6  }
0x7: {  	s13 =	simm.s32 $0x0;
	p1 =	seq.s32 s0, $0x1;
	p0 =	seq.s32 s4, $0x0  }
0x8: {  	s11 =	sadd.s32 $0x200, s1;
	s12 =	sadd.s32 $0x300, s1;
	p0 =	por !p0, !p1  }
0x9: {  	s22 =	ssub.s32 $0x2, s0;
	s4 =	simm.s32 $0x0;
	p0 =	por !p0, !p0  }
0xa: {  	s10 =	sshrl.u32 s22, $0x1;
	[smem:$0x7FF] =	sst s4;
	s5 =	simm.s32 @!p0 $0x0  }
0xb: {  	s23 =	ssub.s32 s22, s10;
	s10 =	sadd.s32 $0x100, s1;
	s6 =	ssub.s32 s6, s5  }
0xc: {  	_ =	strace $0x80000047;
	s7 =	sshrl.u32 s6, $0x3;
	s8 =	sshll.u32 s6, $0x7  }
0xd: {  	s25 =	smax.u32 s23, $0x1;
	s8 =	sand.u32 $0x380, s8;
	s9 =	sshll.u32 s7, $0xE  }
0xe: {  	[dreg:$0x6] =	wrdreg s25;
	s7 =	sshll.u32 s7, $0xA;
	s9 =	sor.u32 s8, s9  }
0xf: {  	p0 =	sne.s32 s0, $0x0;
	s7 =	sor.u32 s8, s7;
	s9 =	sshrl.u32 s9, $0x3  }
0x10: {  	s5 =	simm.s32 $0x1;
	s7 =	sshrl.u32 s7, $0x3;
	s9 =	sadd.s32 s9, s2  }
.Ltmp0:
0x11: {  	s2 =	sadd.s32 s7, s2;
	s24 =	sadd.s32 $0x400, s9;
	(pc) =	sbr.rel .LBB2_1-.Ltmp0, $4  }
0x12: {  	s2 =	sadd.s32 $0x1400, s2;
	s9 =	sshll.u32 s0, $0x5;
	[dreg:$0x4] =	wrdreg s24  }
0x13: {  	v1 =	vlaneseq.u32;
	v2 =	vimm.f32 $0.0e+00;
	s6 =	sshll.u32 s6, $0xB;
	[dreg:$0x5] =	wrdreg s2;
	s26 =	sxor.u32 $0x7FFFFFFF, s9  }
0x14: {  	vm0 =	vmmov $0xffff;
	v3 =	vand.u32 $0x7, v1;
	v4 =	vshrl.u32 v1, $0x3;
	s7 =	simm.s32 $0x8880;
	s28 =	ssub.s32 $0x80000000, s9;
	[dreg:$0x7] =	wrdreg s26  }
0x15: {  	v5 =	vor.u32 $0x8, v1;
	v4 =	vmul.u32 $0x8, v4;
	v0 =	vmov s6;
	s0 =	simm.s32 $0x7080;
	s2 =	simm.s32 $0x6880;
	[dreg:$0x8] =	wrdreg s28  }
.LBB2_15:
0x16: {  	s13 =	rddreg [dreg:$0x9]  }
0x17: {  	s8 =	rddreg [dreg:$0x6];
	s13 =	sadd.s32 $0x1, s13  }
0x18: {  	p1 =	sne.s32 s13, s8  }
.Ltmp1:
0x19: {  	_ = 	snop;
	(pc) =	sbr.rel @!p1 .LBB2_16-.Ltmp1, $1  }
0x1a: {  	_ =	sdelay $0x3  }
.LBB2_1:
0x1b: {  	s8 =	simm.s32 $0x0  }
0x1c: {  	s26 =	sand.u32 $0x1C00, s4;
	s14 =	simm.s32 $0x0;
	s8 =	sand.u32 $0x6000, s8  }
0x1d: {  	s14 =	sand.u32 $0x380, s14;
	s8 =	sor.u32 s26, s8  }
0x1e: {  	s28 =	sand.u32 $0x70, s4;
	s8 =	sor.u32 s14, s8  }
0x1f: {  	[dreg:$0x9] =	wrdreg s13;
	s13 =	sor.u32 s28, s8  }
0x20: {  	s14 =	simm.s32 $0x0;
	s8 =	simm.s32 $0x1;
	[tilespmem:s13+$0x9080] =	vst v2;
	s13 =	simm.s32 $0x80  }
.LBB2_2:
0x21: {  	s15 =	sshll.u32 s8, $0x4;
	p1 =	sne.s32 s8, $0x7FF  }
0x22: {  	s18 =	smov.u32 s8;
	s8 =	sadd.s32 $0x1, s8;
	s21 =	sand.u32 $0x1C00, s13  }
.Ltmp2:
0x23: {  	s15 =	sand.u32 $0x6000, s15;
	s18 =	sshll.u32 s18, $0x1;
	(pc) =	sbr.rel @p1 .LBB2_2-.Ltmp2, $4  }
0x24: {  	s14 =	sadd.s32 $0x10, s14;
	s18 =	sand.u32 $0x380, s18;
	s15 =	sor.u32 s21, s15  }
0x25: {  	s21 =	sand.u32 $0x70, s14;
	s15 =	sor.u32 s18, s15  }
0x26: {  	s15 =	sor.u32 s21, s15  }
0x27: {  	s13 =	sadd.s32 $0x80, s13;
	[tilespmem:s15+$0x9080] =	vst v2  }
0x28: {  	s8 =	simm.s32 $0x0;
	s13 =	rddreg [dreg:$0x4]  }
0x29: {  	s14 =	simm.s32 $0x80;
	s15 =	simm.s32 $0x400;
	s28 =	simm.s32 $0x2  }
0x2a: {  	[tilespmem:s8], [sflag:$0x2] =	stream.strided.gather [hbm4b:s13+s14], $0x800, s15, s14, $0x38;
	[tilespmem:$0x11100] =	vst v63  }
0x2b: {  	_ =	swait.ge [sflag:s28], $0x800  }
0x2c: {  	[sflag:s28] =	ssyncset.done $0x0  }
0x2d: {  	s13 =	simm.s32 $0x40;
	s14 =	simm.s32 $0x0;
	[sflag:s28] =	ssyncadd.s32 $0xFFFFF800  }
.LBB2_4:
0x2e: {  	p1 =	sne.s32 s13, $0x2000;
	[tilespmem:s14+$0x800] =	vst v0;
	s14 =	smov.u32 s13;
	s13 =	sadd.s32 $0x40, s13  }
.Ltmp3:
0x2f: {  	(pc) =	sbr.rel @p1 .LBB2_4-.Ltmp3, $2  }
0x30: {  	_ =	sdelay $0x2  }
0x31: {  	s14 =	sshra.s32 s14, $0x2  }
0x32: {  	[tilespmem:s14+$0x800] =	vst v0;
	s13 =	simm.s32 $0x0  }
0x33: {  	v6 =	vld [tilespmem:s13+$0x0];
	_ =	sdelay $0x4  }
0x34: {  	(xrf0) =	vadd.scan.msk.s32 $0xffff, v6;
	_ =	sdelay $0x5  }
0x35: {  	v7, _, _ =	vpop (xrf0)  }
0x36: {  	v9 =	vxor.u32 $0x80000000, v7  }
0x37: {  	(xrf0) =	vmax.scan.msk.u32 $0xffff, v9  }
0x38: {  	v8 =	vmov s8  }
0x39: {  	v8 =	vadd.s32 $0xFFFFFFFF, v8  }
0x3a: {  	v8 =	vbroadcast v8, $0x0  }
0x3b: {  	vm1 =	vne.s32 v6, $0x0  }
0x3c: {  	v6 =	vadd.s32 v7, v8  }
0x3d: {  	v7, _, _ =	vpop (xrf0)  }
0x3e: {  	(v2sf) =	vpush v7, $0xF;
	_ =	sdelay $0x1  }
0x3f: {  	v63 =	vor.u32 s6, v1  }
0x40: {  	s15 =	simm.s32 $0x10;
	s14 =	simm.s32 $0x80;
	s13 =	smov.u32 s6;
	[tilespmem:v6+s19+$0x0] =	vst.idx.msk vm1, v63  }
.LBB2_6:
0x41: {  	p1 =	sne.s32 s14, $0x1FC0;
	v6 =	vld [tilespmem:s15+$0x0];
	_ =	sdelay $0x4  }
0x42: {  	vm1 =	vne.s32 v6, $0x0;
	(xrf0) =	vadd.scan.msk.s32 $0xffff, v6;
	_ =	sdelay $0x5  }
0x43: {  	v6, _, _ =	vpop (xrf0);
	s15 =	spop (v2sf)  }
0x44: {  	v7 =	vxor.u32 $0x80000000, v6;
	s8 =	sadd.s32 s15, s8  }
0x45: {  	(xrf0) =	vmax.scan.msk.u32 $0xffff, v7;
	s8 =	sadd.s32 $0x80000000, s8  }
0x46: {  	v7 =	vmov s8  }
0x47: {  	v7 =	vadd.s32 $0xFFFFFFFF, v7  }
0x48: {  	v8 =	vbroadcast v7, $0x0;
	_ =	sdelay $0x1  }
0x49: {  	v6 =	vadd.s32 v6, v8  }
.Ltmp4:
0x4a: {  	v7, _, _ =	vpop (xrf0);
	(pc) =	sbr.rel @p1 .LBB2_6-.Ltmp4, $4  }
0x4b: {  	(v2sf) =	vpush v7, $0xF  }
0x4c: {  	s13 =	sadd.s32 $0x10, s13  }
0x4d: {  	v7 =	vor.u32 s13, v1  }
0x4e: {  	s15 =	sshra.s32 s14, $0x2;
	s14 =	sadd.s32 $0x40, s14;
	[tilespmem:v6+s19+$0x0] =	vst.idx.msk vm1, v7  }
0x4f: {  	v6 =	vld [tilespmem:s15+$0x0];
	_ =	sdelay $0x4  }
0x50: {  	(xrf0) =	vadd.scan.msk.s32 $0xffff, v6;
	_ =	sdelay $0x5  }
0x51: {  	v7, _, _ =	vpop (xrf0)  }
0x52: {  	v8 =	vxor.u32 $0x80000000, v7  }
0x53: {  	(xrf0) =	vmax.scan.msk.u32 $0xffff, v8;
	_ =	sdelay $0x5  }
0x54: {  	v8, _, _ =	vpop (xrf0)  }
0x55: {  	(v2sf) =	vpush v8, $0xF;
	_ =	sdelay $0x5  }
0x56: {  	s14 =	spop (v2sf)  }
0x57: {  	s8 =	sadd.s32 s14, s8  }
0x58: {  	s8 =	sadd.s32 $0x80000000, s8  }
0x59: {  	v63 =	vmov s8  }
0x5a: {  	v8 =	vadd.s32 $0xFFFFFFFF, v63  }
0x5b: {  	v8 =	vbroadcast v8, $0x0  }
0x5c: {  	vm1 =	vne.s32 v6, $0x0  }
0x5d: {  	v6 =	vadd.s32 v7, v8;
	_ =	sdelay $0x1  }
0x5e: {  	s24 =	spop (v2sf)  }
0x5f: {  	s13 =	sadd.s32 $0x10, s13;
	s25 =	sadd.s32 s24, s8  }
0x60: {  	v7 =	vor.u32 s13, v1;
	s14 =	sadd.s32 $0x80000000, s25  }
0x61: {  	[tilespmem:v6+s19+$0x0] =	vst.idx.msk vm1, v7;
	v6 =	vmov @!p0 s14  }
0x62: {  	s18 =	simm.s32 @!p0 $0x11080;
	s21 =	rddreg [dreg:$0x5];
	s13 =	simm.s32 @!p0 $0x0;
	[tilespmem:$0x11080] =	vst @!p0 v6  }
0x63: {  	[hbm4b:s21+s13] =	stream.linear.scatter @!p0 [tilespmem:s18], [sflag:$0x2], $0x80, $0x38;
	[tilespmem:$0x11100] =	vst v63  }
0x64: {  	s13 =	simm.s32 @!p0 $0x2  }
0x65: {  	_ =	swait.ge @!p0 [sflag:s13], $0x80  }
.Ltmp5:
0x66: {  	s26 =	rddreg [dreg:$0x7];
	(pc) =	sbr.rel .LBB2_8-.Ltmp5, $4  }
0x67: {  	s28 =	rddreg [dreg:$0x8]  }
0x68: {  	[sflag:s13] =	ssyncset.done @!p0 $0x0;
	s18 =	sadd.s32 s24, s26;
	s15 =	sadd.s32 s24, s28  }
0x69: {  	[sflag:s13] =	ssyncadd.s32 @!p0 $0xFFFFFF80;
	s25 =	sadd.s32 s8, s18;
	s8 =	sadd.s32 s8, s15  }
0x6a: {  	s13 =	simm.s32 $0x0;
	s24 =	sshll.u32 s8, $0x7;
	s23 =	sshll.u32 s8, $0xA  }
.LBB2_12:
0x6b: {  	s8 =	sshll.u32 s21, $0x7  }
0x6c: {  	s8 =	sadd.s32 s3, s8  }
0x6d: {  	[hbm4b:s8+s4] =	stream.linear.scatter [tilespmem:s20], [sflag:$0x3], $0x8000, $0x38;
	[tilespmem:$0x11100] =	vst v63  }
0x6e: {  	s8 =	simm.s32 $0x3  }
.LBB2_14:
0x6f: {  	s13 =	sadd.s32 $0x1, s13  }
0x70: {  	p1 =	sne.s32 s13, $0x20  }
.Ltmp6:
0x71: {  	_ = 	snop;
	(pc) =	sbr.rel @!p1 .LBB2_15-.Ltmp6, $4  }
0x72: {  	_ = 	snop  }
0x73: {  	_ =	swait.ge [sflag:s8], $0x8000  }
0x74: {  	s25 =	sadd.s32 $0xFFFFFFC0, s25;
	[sflag:s8] =	ssyncset.done $0x0  }
0x75: {  	s24 =	sadd.s32 $0xFFFFE000, s24;
	s23 =	sadd.s32 $0xFFFF0000, s23;
	[sflag:s8] =	ssyncadd.s32 $0xFFFF8000  }
.LBB2_8:
0x76: {  	s8 =	sshll.u32 s13, $0x6  }
0x77: {  	s15 =	sor.u32 s9, s8  }
0x78: {  	s8 =	ssub.s32 s14, s15  }
0x79: {  	p1 =	slt.s32 s8, $0x1  }
.Ltmp7:
0x7a: {  	_ = 	snop;
	(pc) =	sbr.rel @p1 .LBB2_13-.Ltmp7, $2  }
0x7b: {  	_ =	sdelay $0x2  }
0x7c: {  	s21 =	sor.u32 s6, s15  }
0x7d: {  	v6 =	vld [tilespmem:s15+$0x800];
	_ =	sdelay $0x4  }
0x7e: {  	v7 =	vshll.u32 v6, $0x3  }
0x7f: {  	v6 =	vand.u32 $0x7, v6;
	v7 =	vand.u32 $0xFFFFFFC0, v7  }
0x80: {  	v6 =	vor.u32 v6, v7  }
0x81: {  	v7 =	vperm.xlane v6, v3;
	_ =	sdelay $0x1  }
0x82: {  	v7 =	vadd.s32 v4, v7;
	_ =	sdelay $0x4  }
0x83: {  	[tilespmem:s20], [sflag:$0x1] =	stream.indirect_vreg.gather [hbm4b:s1+s4], $0x80, v7, vm0, $0xb8;
	[tilespmem:$0x11100] =	vst v63  }
0x84: {  	s18 =	simm.s32 $0x1880;
	v6 =	vperm.xlane v6, v5  }
0x85: {  	[tilespmem:s18], [sflag:$0x1] =	stream.indirect_vreg.gather [hbm4b:s10+s4], $0x80, v7, vm0, $0xb8;
	[tilespmem:$0x11100] =	vst v63  }
0x86: {  	s22 =	simm.s32 $0x2080;
	v6 =	vadd.s32 v4, v6  }
0x87: {  	[tilespmem:s22], [sflag:$0x1] =	stream.indirect_vreg.gather [hbm4b:s11+s4], $0x80, v7, vm0, $0xb8;
	[tilespmem:$0x11100] =	vst v63  }
0x88: {  	s26 =	simm.s32 $0x2880  }
0x89: {  	[tilespmem:s26], [sflag:$0x1] =	stream.indirect_vreg.gather [hbm4b:s12+s4], $0x80, v7, vm0, $0xb8;
	[tilespmem:$0x11100] =	vst v63  }
0x8a: {  	s28 =	simm.s32 $0x3080  }
0x8b: {  	[tilespmem:s28], [sflag:$0x1] =	stream.indirect_vreg.gather [hbm4b:s1+s4], $0x80, v6, vm0, $0xb8;
	[tilespmem:$0x11100] =	vst v63  }
0x8c: {  	s22 =	simm.s32 $0x3880  }
0x8d: {  	[tilespmem:s22], [sflag:$0x1] =	stream.indirect_vreg.gather [hbm4b:s10+s4], $0x80, v6, vm0, $0xb8;
	[tilespmem:$0x11100] =	vst v63  }
0x8e: {  	s26 =	simm.s32 $0x4080  }
0x8f: {  	[tilespmem:s26], [sflag:$0x1] =	stream.indirect_vreg.gather [hbm4b:s11+s4], $0x80, v6, vm0, $0xb8;
	[tilespmem:$0x11100] =	vst v63  }
0x90: {  	s28 =	simm.s32 $0x4880  }
0x91: {  	[tilespmem:s28], [sflag:$0x1] =	stream.indirect_vreg.gather [hbm4b:s12+s4], $0x80, v6, vm0, $0xb8;
	[tilespmem:$0x11100] =	vst v63  }
0x92: {  	v6 =	vld [tilespmem:s15+$0x810];
	_ =	sdelay $0x4  }
0x93: {  	v7 =	vshll.u32 v6, $0x3  }
0x94: {  	v6 =	vand.u32 $0x7, v6;
	v7 =	vand.u32 $0xFFFFFFC0, v7  }
0x95: {  	v6 =	vor.u32 v6, v7  }
0x96: {  	v7 =	vperm.xlane v6, v3;
	_ =	sdelay $0x1  }
0x97: {  	v7 =	vadd.s32 v4, v7;
	_ =	sdelay $0x4  }
0x98: {  	[tilespmem:s29], [sflag:$0x1] =	stream.indirect_vreg.gather [hbm4b:s1+s4], $0x80, v7, vm0, $0xb8;
	[tilespmem:$0x11100] =	vst v63  }
0x99: {  	v6 =	vperm.xlane v6, v5  }
0x9a: {  	[tilespmem:s30], [sflag:$0x1] =	stream.indirect_vreg.gather [hbm4b:s10+s4], $0x80, v7, vm0, $0xb8;
	[tilespmem:$0x11100] =	vst v63  }
0x9b: {  	v6 =	vadd.s32 v4, v6  }
0x9c: {  	[tilespmem:s31], [sflag:$0x1] =	stream.indirect_vreg.gather [hbm4b:s11+s4], $0x80, v7, vm0, $0xb8;
	[tilespmem:$0x11100] =	vst v63  }
0x9d: {  	_ = 	snop  }
0x9e: {  	[tilespmem:s2], [sflag:$0x1] =	stream.indirect_vreg.gather [hbm4b:s12+s4], $0x80, v7, vm0, $0xb8;
	[tilespmem:$0x11100] =	vst v63  }
0x9f: {  	_ = 	snop  }
0xa0: {  	[tilespmem:s0], [sflag:$0x1] =	stream.indirect_vreg.gather [hbm4b:s1+s4], $0x80, v6, vm0, $0xb8;
	[tilespmem:$0x11100] =	vst v63  }
0xa1: {  	_ = 	snop  }
0xa2: {  	[tilespmem:s16], [sflag:$0x1] =	stream.indirect_vreg.gather [hbm4b:s10+s4], $0x80, v6, vm0, $0xb8;
	[tilespmem:$0x11100] =	vst v63  }
0xa3: {  	p1 =	sgt.u32 s8, $0x1F  }
0xa4: {  	[tilespmem:s17], [sflag:$0x1] =	stream.indirect_vreg.gather [hbm4b:s11+s4], $0x80, v6, vm0, $0xb8;
	[tilespmem:$0x11100] =	vst v63  }
.Ltmp8:
0xa5: {  	_ = 	snop;
	(pc) =	sbr.rel @p1 .LBB2_12-.Ltmp8, $4  }
0xa6: {  	[tilespmem:s7], [sflag:$0x1] =	stream.indirect_vreg.gather [hbm4b:s12+s4], $0x80, v6, vm0, $0xb8;
	[tilespmem:$0x11100] =	vst v63  }
0xa7: {  	_ =	swait.ge [sflag:s5], $0x8000  }
0xa8: {  	[sflag:s5] =	ssyncset.done $0x0  }
0xa9: {  	[sflag:s5] =	ssyncadd.s32 $0xFFFF8000  }
0xaa: {  	s22 =	sshrl.u32 s24, $0x7  }
0xab: {  	s8 =	smov.u32 s23;
	s18 =	smov.u32 s24;
	s15 =	smov.u32 s25  }
.LBB2_11:
0xac: {  	s26 =	sand.u32 $0x7FFFE000, s8;
	s28 =	sand.u32 $0x380, s18  }
0xad: {  	s26 =	sor.u32 s28, s26  }
0xae: {  	[tilespmem:s26+$0x1080] =	vst v2  }
0xaf: {  	[tilespmem:s26+$0x1090] =	vst v2  }
0xb0: {  	[tilespmem:s26+$0x10A0] =	vst v2  }
0xb1: {  	[tilespmem:s26+$0x10B0] =	vst v2  }
0xb2: {  	[tilespmem:s26+$0x10C0] =	vst v2  }
0xb3: {  	[tilespmem:s26+$0x10D0] =	vst v2  }
0xb4: {  	[tilespmem:s26+$0x10E0] =	vst v2  }
0xb5: {  	[tilespmem:s26+$0x10F0] =	vst v2  }
0xb6: {  	[tilespmem:s26+$0x1480] =	vst v2  }
0xb7: {  	[tilespmem:s26+$0x1490] =	vst v2  }
0xb8: {  	[tilespmem:s26+$0x14A0] =	vst v2  }
0xb9: {  	[tilespmem:s26+$0x14B0] =	vst v2  }
0xba: {  	[tilespmem:s26+$0x14C0] =	vst v2  }
0xbb: {  	[tilespmem:s26+$0x14D0] =	vst v2  }
0xbc: {  	[tilespmem:s26+$0x14E0] =	vst v2  }
0xbd: {  	[tilespmem:s26+$0x14F0] =	vst v2  }
0xbe: {  	[tilespmem:s26+$0x1880] =	vst v2  }
0xbf: {  	[tilespmem:s26+$0x1890] =	vst v2  }
0xc0: {  	[tilespmem:s26+$0x18A0] =	vst v2  }
0xc1: {  	[tilespmem:s26+$0x18B0] =	vst v2  }
0xc2: {  	[tilespmem:s26+$0x18C0] =	vst v2  }
0xc3: {  	[tilespmem:s26+$0x18D0] =	vst v2  }
0xc4: {  	[tilespmem:s26+$0x18E0] =	vst v2  }
0xc5: {  	[tilespmem:s26+$0x18F0] =	vst v2  }
0xc6: {  	[tilespmem:s26+$0x1C80] =	vst v2  }
0xc7: {  	[tilespmem:s26+$0x1C90] =	vst v2  }
0xc8: {  	[tilespmem:s26+$0x1CA0] =	vst v2  }
0xc9: {  	[tilespmem:s26+$0x1CB0] =	vst v2  }
0xca: {  	[tilespmem:s26+$0x1CC0] =	vst v2  }
0xcb: {  	[tilespmem:s26+$0x1CD0] =	vst v2  }
0xcc: {  	[tilespmem:s26+$0x1CE0] =	vst v2  }
0xcd: {  	[tilespmem:s26+$0x1CF0] =	vst v2  }
0xce: {  	[tilespmem:s26+$0x2080] =	vst v2  }
0xcf: {  	[tilespmem:s26+$0x2090] =	vst v2  }
0xd0: {  	[tilespmem:s26+$0x20A0] =	vst v2  }
0xd1: {  	[tilespmem:s26+$0x20B0] =	vst v2  }
0xd2: {  	[tilespmem:s26+$0x20C0] =	vst v2  }
0xd3: {  	[tilespmem:s26+$0x20D0] =	vst v2  }
0xd4: {  	[tilespmem:s26+$0x20E0] =	vst v2  }
0xd5: {  	[tilespmem:s26+$0x20F0] =	vst v2  }
0xd6: {  	[tilespmem:s26+$0x2480] =	vst v2  }
0xd7: {  	[tilespmem:s26+$0x2490] =	vst v2  }
0xd8: {  	[tilespmem:s26+$0x24A0] =	vst v2  }
0xd9: {  	[tilespmem:s26+$0x24B0] =	vst v2  }
0xda: {  	[tilespmem:s26+$0x24C0] =	vst v2  }
0xdb: {  	[tilespmem:s26+$0x24D0] =	vst v2  }
0xdc: {  	[tilespmem:s26+$0x24E0] =	vst v2  }
0xdd: {  	[tilespmem:s26+$0x24F0] =	vst v2  }
0xde: {  	[tilespmem:s26+$0x2880] =	vst v2  }
0xdf: {  	[tilespmem:s26+$0x2890] =	vst v2  }
0xe0: {  	[tilespmem:s26+$0x28A0] =	vst v2  }
0xe1: {  	[tilespmem:s26+$0x28B0] =	vst v2  }
0xe2: {  	s28 =	sand.u32 $0x7, s22;
	[tilespmem:s26+$0x28C0] =	vst v2  }
0xe3: {  	s28 =	sshll.u32 s28, $0x7;
	[tilespmem:s26+$0x28D0] =	vst v2  }
0xe4: {  	[tilespmem:s26+$0x28E0] =	vst v2;
	s28 =	sadd.s32 s28, s8  }
0xe5: {  	[tilespmem:s26+$0x28F0] =	vst v2;
	s26 =	sor.u32 $0x1C00, s28  }
0xe6: {  	[tilespmem:s26+$0x1080] =	vst v2;
	s26 =	sor.u32 $0x1C10, s28  }
0xe7: {  	s15 =	sadd.s32 $0x1, s15;
	[tilespmem:s26+$0x1080] =	vst v2;
	s26 =	sor.u32 $0x1C20, s28  }
0xe8: {  	p1 =	slt.s32 s15, $0x1F;
	[tilespmem:s26+$0x1080] =	vst v2;
	s26 =	sor.u32 $0x1C30, s28  }
.Ltmp9:
0xe9: {  	[tilespmem:s26+$0x1080] =	vst v2;
	s26 =	sor.u32 $0x1C40, s28;
	(pc) =	sbr.rel @p1 .LBB2_11-.Ltmp9, $4  }
0xea: {  	[tilespmem:s26+$0x1080] =	vst v2;
	s26 =	sor.u32 $0x1C50, s28  }
0xeb: {  	[tilespmem:s26+$0x1080] =	vst v2;
	s26 =	sor.u32 $0x1C60, s28  }
0xec: {  	s28 =	sor.u32 $0x1C70, s28;
	[tilespmem:s26+$0x1080] =	vst v2  }
0xed: {  	s18 =	sadd.s32 $0x80, s18;
	s22 =	sadd.s32 $0x1, s22;
	s8 =	sadd.s32 $0x400, s8;
	[tilespmem:s28+$0x1080] =	vst v2  }
.Ltmp10:
0xee: {  	_ = 	snop;
	(pc) =	sbr.rel .LBB2_12-.Ltmp10, $1  }
0xef: {  	_ =	sdelay $0x3  }
.LBB2_13:
.Ltmp11:
0xf0: {  	(pc) =	sbr.rel .LBB2_14-.Ltmp11, $4  }
0xf1: {  	s8 =	sshll.u32 s21, $0x7  }
0xf2: {  	s15 =	simm.s32 $0x9080;
	s8 =	sadd.s32 s3, s8  }
0xf3: {  	[hbm4b:s8+s4] =	stream.linear.scatter [tilespmem:s15], [sflag:$0x2], $0x8000, $0x38;
	[tilespmem:$0x11100] =	vst v63  }
0xf4: {  	s8 =	simm.s32 $0x2  }
.LBB2_16:
0xf5: {  	_ =	sfence.sel $0x180000  }
0xf6: {  	[bflag:$0x0] =	sbarrier.arrive $0xFFFF  }
0xf7: {  	_ =	strace $0x90000047  }
0xf8: {  	s0 =	stileid.u32;
	[bflag:$0x2] =	sbarrier.arrive $0xFFFF  }
0xf9: {  	p0 =	sne.s32 s0, $0x0;
	s0 =	rddreg [dreg:$0x3]  }
0xfa: {  	s0 =	sadd.s32 @!p0 $0x100000, s0  }
0xfb: {  	[sflag:s0] =	ssyncadd.tile.s32 @!p0 $0x1;
	_ =	shalt  }
.Lfunc_end2:
_tile_overlayer_lowered:
.L_overlay_start_2:
0xfc: {  	(tag) =	ssettag $0x2  }
0xfd: {  	s0 =	rddreg [dreg:$0x0];
	s2 =	stileid.u32  }
0xfe: {  	s1 =	rddreg [dreg:$0x1];
	p0 =	sne.s32 s2, $0x0  }
0xff: {  	s3 =	rddreg [dreg:$0x2];
	[bflag:$0x3] =	sbarrier.arrive $0xFFFF;
	s2 =	simm.s32 @!p0 $0x1C02  }
0x100: {  	[timem:s3], [sflag:s2] =	dma.local @!p0 [hbm:s0], s1  }
0x101: {  	s0 =	simm.s32 @!p0 $0x2  }
0x102: {  	_ =	swait.ge @!p0 [sflag:s0], s1  }
0x103: {  	s1 =	ssub.s32 @!p0 $0x0, s1;
	[sflag:s0] =	ssyncset.done @!p0 $0x0  }
0x104: {  	[sflag:s0] =	ssyncadd.s32 @!p0 s1  }
0x105: {  	[bflag:$0x3] =	sbarrier.arrive $0xFFFF  }
0x106: {  	_ =	shalt  }

</sc_bundles>
